<compile_context>
chip_gen: v7x
topology: tpu7x:2x2x1
jax: 0.10.2.dev20260603
libtpu: 0.0.44.dev20260713+nightly
codegen_flags: <defaults>
</compile_context>

<pallas_src>
import functools

import jax
import jax.numpy as jnp
from jax import lax
from jax.experimental import pallas as pl
from jax.experimental.pallas import tpu as pltpu
from jax.experimental.pallas import tpu_sc as plsc

R = 8192
S = 64
LANES = 16
CHUNKS = S // LANES
NC = 2
NS = 16
NW = NC * NS
RPW = R // NW
LAMBDA_OPACITY = 0.001
LAMBDA_DISTORTION = 0.001

_mesh = plsc.VectorSubcoreMesh(core_axis_name="c", subcore_axis_name="s")


@functools.partial(
    pl.kernel,
    out_type=jax.ShapeDtypeStruct((R,), jnp.float32),
    mesh=_mesh,
    scratch_types=[
        pltpu.VMEM((RPW * S,), jnp.float32),
        pltpu.VMEM((RPW * S,), jnp.float32),
        pltpu.VMEM((RPW * S,), jnp.float32),
        pltpu.VMEM((RPW,), jnp.float32),
        pltpu.SemaphoreType.DMA,
        pltpu.SemaphoreType.DMA,
    ],
    compiler_params=pltpu.CompilerParams(
        needs_layout_passes=False, skip_device_barrier=True
    ),
)
def _distortion_sc(ws_hbm, deltas_hbm, ts_hbm, out_hbm, w_v, d_v, t_v, out_v,
                   sem0, sem1):
    wid = lax.axis_index("s") * NC + lax.axis_index("c")
    base = wid * (RPW * S)
    half = (RPW // 2) * S
    cps0 = [
        pltpu.make_async_copy(src.at[pl.ds(base, half)], dst.at[pl.ds(0, half)], sem0)
        for src, dst in ((ws_hbm, w_v), (deltas_hbm, d_v), (ts_hbm, t_v))
    ]
    cps1 = [
        pltpu.make_async_copy(
            src.at[pl.ds(base + half, half)], dst.at[pl.ds(half, half)], sem1
        )
        for src, dst in ((ws_hbm, w_v), (deltas_hbm, d_v), (ts_hbm, t_v))
    ]
    for cp in cps0:
        cp.start()
    for cp in cps1:
        cp.start()
    for cp in cps0:
        cp.wait()

    lane15 = lax.iota(jnp.int32, LANES) == (LANES - 1)

    def ray_work(r):
        idx15 = jnp.full((LANES,), LANES - 1, jnp.int32)
        ws_c = []
        ts_c = []
        cws = []
        for c in range(CHUNKS):
            off = r * S + c * LANES
            w = w_v[pl.ds(off, LANES)]
            t = t_v[pl.ds(off, LANES)]
            ws_c.append(w)
            ts_c.append(t)
            cws.append(plsc.cumsum(w))
        acc1 = jnp.zeros((LANES,), jnp.float32)
        acc2 = jnp.zeros((LANES,), jnp.float32)
        acc3 = jnp.zeros((LANES,), jnp.float32)
        accu = jnp.zeros((LANES,), jnp.float32)
        cw_carry = jnp.zeros((LANES,), jnp.float32)
        for c in range(CHUNKS):
            off = r * S + c * LANES
            w = ws_c[c]
            t = ts_c[c]
            d = d_v[pl.ds(off, LANES)]
            wt = w * t
            w_excl = (cws[c] - w) + cw_carry
            acc1 = acc1 + wt * w_excl
            acc2 = acc2 + wt * w
            acc3 = acc3 + wt
            accu = accu + (w * w) * d
            cw_carry = cw_carry + cws[c][idx15]
        final = (4.0 * acc1 + 2.0 * acc2 + (1.0 / 3.0) * accu
                 - (2.0 * cw_carry) * acc3)
        tot = plsc.cumsum(final) * LAMBDA_DISTORTION
        idx = jnp.full((LANES,), r, jnp.int32)
        plsc.store_scatter(out_v, [idx], tot, mask=lane15)

    plsc.parallel_loop(0, RPW // 2, 1)(ray_work)
    for cp in cps1:
        cp.wait()
    plsc.parallel_loop(RPW // 2, RPW, 1)(ray_work)
    pltpu.sync_copy(out_v, out_hbm.at[pl.ds(wid * RPW, RPW)])


def _rgb_opacity_tc(rgb_p_ref, rgb_t_ref, op_ref, drgb_ref, dop_ref):
    diff = rgb_p_ref[...] - rgb_t_ref[...]
    drgb_ref[...] = diff * diff
    o = op_ref[...] + 1e-10
    dop_ref[...] = (-LAMBDA_OPACITY) * o * jnp.log(o)


def kernel(rgb_pred, rgb_target, opacity, ws, deltas, ts, rays_a):
    drgb_t, dop_t = pl.pallas_call(
        _rgb_opacity_tc,
        out_shape=(
            jax.ShapeDtypeStruct((3, R), jnp.float32),
            jax.ShapeDtypeStruct((1, R), jnp.float32),
        ),
    )(rgb_pred.T, rgb_target.T, opacity.T)
    d_distortion = _distortion_sc(ws, deltas, ts)
    return (drgb_t.T, dop_t.T, d_distortion)

# --- scband reference (transcript-rebuilt; emitter-appended) ---
"""Pipeline reference for scband-ne-rfloss-91164975824972 (READ-ONLY COPY).

The authoritative reference and input builder live on the scoring server;
editing this copy changes nothing except your own understanding.
"""

import jax, jax.numpy as jnp
import numpy as np

R = 8192
S = 64
N = R * S

def setup_inputs(seed: int = 0):
    key = jax.random.key(seed)
    k1, k2, k3, k4, k5 = jax.random.split(key, 5)
    rgb_pred = jax.random.uniform(k1, (R, 3), dtype=jnp.float32)
    rgb_target = jax.random.uniform(k2, (R, 3), dtype=jnp.float32)
    opacity = jax.random.uniform(k3, (R, 1), dtype=jnp.float32, minval=1e-4, maxval=1.0)
    deltas2 = jax.random.uniform(k4, (R, S), dtype=jnp.float32, minval=1e-3, maxval=2e-2)
    ts2 = jnp.cumsum(deltas2, axis=1) - 0.5 * deltas2
    wraw = jax.random.uniform(k5, (R, S), dtype=jnp.float32)
    ws2 = wraw / (jnp.sum(wraw, axis=1, keepdims=True) + 1e-6)
    ws = ws2.reshape(-1)
    deltas = deltas2.reshape(-1)
    ts = ts2.reshape(-1)
    ray_idx = jnp.arange(R, dtype=jnp.int32)
    rays_a = jnp.stack([ray_idx, ray_idx * S, jnp.full((R,), S, dtype=jnp.int32)], axis=1)
    return {"rgb_pred": rgb_pred, "rgb_target": rgb_target, "opacity": opacity,
            "ws": ws, "deltas": deltas, "ts": ts, "rays_a": rays_a}

def _distortion_loss(ws, deltas, ts, rays_a):
    # Mip-NeRF 360 distortion loss (DVGO-v2 inclusive-scan formulation),
    # specialized to equal-length contiguous per-ray segments encoded in rays_a.
    Rn = rays_a.shape[0]
    Sn = ws.shape[0] // Rn
    idx = rays_a[:, 1][:, None] + jnp.arange(Sn, dtype=rays_a.dtype)[None, :]
    w = jnp.take(ws, idx, axis=0)
    d = jnp.take(deltas, idx, axis=0)
    t = jnp.take(ts, idx, axis=0)
    w_excl = jnp.cumsum(w, axis=1) - w
    wt_excl = jnp.cumsum(w * t, axis=1) - w * t
    loss_bi = 2.0 * jnp.sum(w * (t * w_excl - wt_excl), axis=1)
    loss_uni = jnp.sum(w * w * d, axis=1) / 3.0
    per_ray = loss_bi + loss_uni
    out = jnp.zeros((Rn,), dtype=ws.dtype).at[rays_a[:, 0]].add(per_ray)
    return out

def reference(rgb_pred, rgb_target, opacity, ws, deltas, ts, rays_a):
    lambda_opacity = 0.001
    lambda_distortion = 0.001
    d_rgb = (rgb_pred - rgb_target) ** 2
    o = opacity + 1e-10
    d_opacity = lambda_opacity * (-o * jnp.log(o))
    d_distortion = lambda_distortion * _distortion_loss(ws, deltas, ts, rays_a)
    return (d_rgb, d_opacity, d_distortion)

if __name__ == "__main__":
    import jax
    _d = setup_inputs()
    print(jax.jit(kernel)(*tuple(_d.values())))

</pallas_src>

<mosaic_0001>
#map = affine_map<(d0, d1) -> (0)>
module attributes {stable_mosaic.version = 14 : i64} {
  func.func @_distortion_sc(%arg0: i32, %arg1: i32, %arg2: memref<524288xf32, #tpu.memory_space<hbm>>, %arg3: memref<524288xf32, #tpu.memory_space<hbm>>, %arg4: memref<524288xf32, #tpu.memory_space<hbm>>, %arg5: memref<8192xf32, #tpu.memory_space<hbm>>, %arg6: memref<16384xf32, #tpu.memory_space<vmem>>, %arg7: memref<16384xf32, #tpu.memory_space<vmem>>, %arg8: memref<16384xf32, #tpu.memory_space<vmem>>, %arg9: memref<256xf32, #tpu.memory_space<vmem>>, %arg10: memref<!tpu.dma_semaphore, #tpu.memory_space<semaphore_mem>>, %arg11: memref<!tpu.dma_semaphore, #tpu.memory_space<semaphore_mem>>) attributes {dimension_semantics = [#tpu.dimension_semantics<core_parallel>, #tpu.dimension_semantics<subcore_parallel>], iteration_bounds = array<i64: 2, 16>, scalar_prefetch = 0 : i64, scratch_operands = 6 : i64, tpu.core_type = #tpu.core_type<sc_vector_subcore>, window_params = [{transform_indices = #map}, {transform_indices = #map}, {transform_indices = #map}, {transform_indices = #map}]} {
    %mul3A = arith.constant 2 : i32
    %mul3A_0 = arith.muli %arg1, %mul3A : i32
    %add3A = arith.addi %mul3A_0, %arg0 : i32
    %mul3A_1 = arith.constant 16384 : i32
    %mul3A_2 = arith.muli %add3A, %mul3A_1 : i32
    %add3A_3 = arith.constant 8192 : i32
    %add3A_4 = arith.addi %mul3A_2, %add3A_3 : i32
    %add3A_5 = arith.constant 8192 : i32
    %add3A_6 = arith.addi %mul3A_2, %add3A_5 : i32
    %add3A_7 = arith.constant 8192 : i32
    %add3A_8 = arith.addi %mul3A_2, %add3A_7 : i32
    %dma_start3A = arith.constant 0 : i32
    %dma_start3A_9 = tpu.memref_slice %arg6[%dma_start3A] : memref<16384xf32, #tpu.memory_space<vmem>> -> memref<8192xf32, #tpu.memory_space<vmem>>
    %dma_start3A_10 = tpu.memref_slice %arg2[%mul3A_2] : memref<524288xf32, #tpu.memory_space<hbm>> -> memref<8192xf32, #tpu.memory_space<hbm>>
    %dma_start3A_11 = arith.constant 0 : i32
    %dma_start3A_12 = tpu.memref_slice %arg6[%dma_start3A_11] : memref<16384xf32, #tpu.memory_space<vmem>> -> memref<8192xf32, #tpu.memory_space<vmem>>
    %dma_start3A_13 = tpu.memref_slice %arg2[%mul3A_2] : memref<524288xf32, #tpu.memory_space<hbm>> -> memref<8192xf32, #tpu.memory_space<hbm>>
    tpu.enqueue_dma source(%dma_start3A_13 : memref<8192xf32, #tpu.memory_space<hbm>>) target(%dma_start3A_12 : memref<8192xf32, #tpu.memory_space<vmem>>) target_semaphore(%arg10 : memref<!tpu.dma_semaphore, #tpu.memory_space<semaphore_mem>>)
    %dma_start3A_14 = arith.constant 0 : i32
    %dma_start3A_15 = tpu.memref_slice %arg7[%dma_start3A_14] : memref<16384xf32, #tpu.memory_space<vmem>> -> memref<8192xf32, #tpu.memory_space<vmem>>
    %dma_start3A_16 = tpu.memref_slice %arg3[%mul3A_2] : memref<524288xf32, #tpu.memory_space<hbm>> -> memref<8192xf32, #tpu.memory_space<hbm>>
    %dma_start3A_17 = arith.constant 0 : i32
    %dma_start3A_18 = tpu.memref_slice %arg7[%dma_start3A_17] : memref<16384xf32, #tpu.memory_space<vmem>> -> memref<8192xf32, #tpu.memory_space<vmem>>
    %dma_start3A_19 = tpu.memref_slice %arg3[%mul3A_2] : memref<524288xf32, #tpu.memory_space<hbm>> -> memref<8192xf32, #tpu.memory_space<hbm>>
    tpu.enqueue_dma source(%dma_start3A_19 : memref<8192xf32, #tpu.memory_space<hbm>>) target(%dma_start3A_18 : memref<8192xf32, #tpu.memory_space<vmem>>) target_semaphore(%arg10 : memref<!tpu.dma_semaphore, #tpu.memory_space<semaphore_mem>>)
    %dma_start3A_20 = arith.constant 0 : i32
    %dma_start3A_21 = tpu.memref_slice %arg8[%dma_start3A_20] : memref<16384xf32, #tpu.memory_space<vmem>> -> memref<8192xf32, #tpu.memory_space<vmem>>
    %dma_start3A_22 = tpu.memref_slice %arg4[%mul3A_2] : memref<524288xf32, #tpu.memory_space<hbm>> -> memref<8192xf32, #tpu.memory_space<hbm>>
    %dma_start3A_23 = arith.constant 0 : i32
    %dma_start3A_24 = tpu.memref_slice %arg8[%dma_start3A_23] : memref<16384xf32, #tpu.memory_space<vmem>> -> memref<8192xf32, #tpu.memory_space<vmem>>
    %dma_start3A_25 = tpu.memref_slice %arg4[%mul3A_2] : memref<524288xf32, #tpu.memory_space<hbm>> -> memref<8192xf32, #tpu.memory_space<hbm>>
    tpu.enqueue_dma source(%dma_start3A_25 : memref<8192xf32, #tpu.memory_space<hbm>>) target(%dma_start3A_24 : memref<8192xf32, #tpu.memory_space<vmem>>) target_semaphore(%arg10 : memref<!tpu.dma_semaphore, #tpu.memory_space<semaphore_mem>>)
    %dma_start3A_26 = arith.constant 8192 : i32
    %dma_start3A_27 = tpu.memref_slice %arg6[%dma_start3A_26] : memref<16384xf32, #tpu.memory_space<vmem>> -> memref<8192xf32, #tpu.memory_space<vmem>>
    %dma_start3A_28 = tpu.memref_slice %arg2[%add3A_4] : memref<524288xf32, #tpu.memory_space<hbm>> -> memref<8192xf32, #tpu.memory_space<hbm>>
    %dma_start3A_29 = arith.constant 8192 : i32
    %dma_start3A_30 = tpu.memref_slice %arg6[%dma_start3A_29] : memref<16384xf32, #tpu.memory_space<vmem>> -> memref<8192xf32, #tpu.memory_space<vmem>>
    %dma_start3A_31 = tpu.memref_slice %arg2[%add3A_4] : memref<524288xf32, #tpu.memory_space<hbm>> -> memref<8192xf32, #tpu.memory_space<hbm>>
    tpu.enqueue_dma source(%dma_start3A_31 : memref<8192xf32, #tpu.memory_space<hbm>>) target(%dma_start3A_30 : memref<8192xf32, #tpu.memory_space<vmem>>) target_semaphore(%arg11 : memref<!tpu.dma_semaphore, #tpu.memory_space<semaphore_mem>>)
    %dma_start3A_32 = arith.constant 8192 : i32
    %dma_start3A_33 = tpu.memref_slice %arg7[%dma_start3A_32] : memref<16384xf32, #tpu.memory_space<vmem>> -> memref<8192xf32, #tpu.memory_space<vmem>>
    %dma_start3A_34 = tpu.memref_slice %arg3[%add3A_6] : memref<524288xf32, #tpu.memory_space<hbm>> -> memref<8192xf32, #tpu.memory_space<hbm>>
    %dma_start3A_35 = arith.constant 8192 : i32
    %dma_start3A_36 = tpu.memref_slice %arg7[%dma_start3A_35] : memref<16384xf32, #tpu.memory_space<vmem>> -> memref<8192xf32, #tpu.memory_space<vmem>>
    %dma_start3A_37 = tpu.memref_slice %arg3[%add3A_6] : memref<524288xf32, #tpu.memory_space<hbm>> -> memref<8192xf32, #tpu.memory_space<hbm>>
    tpu.enqueue_dma source(%dma_start3A_37 : memref<8192xf32, #tpu.memory_space<hbm>>) target(%dma_start3A_36 : memref<8192xf32, #tpu.memory_space<vmem>>) target_semaphore(%arg11 : memref<!tpu.dma_semaphore, #tpu.memory_space<semaphore_mem>>)
    %dma_start3A_38 = arith.constant 8192 : i32
    %dma_start3A_39 = tpu.memref_slice %arg8[%dma_start3A_38] : memref<16384xf32, #tpu.memory_space<vmem>> -> memref<8192xf32, #tpu.memory_space<vmem>>
    %dma_start3A_40 = tpu.memref_slice %arg4[%add3A_8] : memref<524288xf32, #tpu.memory_space<hbm>> -> memref<8192xf32, #tpu.memory_space<hbm>>
    %dma_start3A_41 = arith.constant 8192 : i32
    %dma_start3A_42 = tpu.memref_slice %arg8[%dma_start3A_41] : memref<16384xf32, #tpu.memory_space<vmem>> -> memref<8192xf32, #tpu.memory_space<vmem>>
    %dma_start3A_43 = tpu.memref_slice %arg4[%add3A_8] : memref<524288xf32, #tpu.memory_space<hbm>> -> memref<8192xf32, #tpu.memory_space<hbm>>
    tpu.enqueue_dma source(%dma_start3A_43 : memref<8192xf32, #tpu.memory_space<hbm>>) target(%dma_start3A_42 : memref<8192xf32, #tpu.memory_space<vmem>>) target_semaphore(%arg11 : memref<!tpu.dma_semaphore, #tpu.memory_space<semaphore_mem>>)
    %dma_wait3A = arith.constant 0 : i32
    %dma_wait3A_44 = tpu.memref_slice %arg6[%dma_wait3A] : memref<16384xf32, #tpu.memory_space<vmem>> -> memref<8192xf32, #tpu.memory_space<vmem>>
    %dma_wait3A_45 = tpu.memref_slice %arg2[%mul3A_2] : memref<524288xf32, #tpu.memory_space<hbm>> -> memref<8192xf32, #tpu.memory_space<hbm>>
    %dma_wait3A_46 = arith.constant 0 : i32
    %dma_wait3A_47 = tpu.memref_slice %arg6[%dma_wait3A_46] : memref<16384xf32, #tpu.memory_space<vmem>> -> memref<8192xf32, #tpu.memory_space<vmem>>
    %dma_wait3A_48 = tpu.memref_slice %arg2[%mul3A_2] : memref<524288xf32, #tpu.memory_space<hbm>> -> memref<8192xf32, #tpu.memory_space<hbm>>
    tpu.wait_dma2 semaphore(%arg10 : memref<!tpu.dma_semaphore, #tpu.memory_space<semaphore_mem>>) src(%dma_wait3A_48 : memref<8192xf32, #tpu.memory_space<hbm>>) dst(%dma_wait3A_47 : memref<8192xf32, #tpu.memory_space<vmem>>)
    %dma_wait3A_49 = arith.constant 0 : i32
    %dma_wait3A_50 = tpu.memref_slice %arg7[%dma_wait3A_49] : memref<16384xf32, #tpu.memory_space<vmem>> -> memref<8192xf32, #tpu.memory_space<vmem>>
    %dma_wait3A_51 = tpu.memref_slice %arg3[%mul3A_2] : memref<524288xf32, #tpu.memory_space<hbm>> -> memref<8192xf32, #tpu.memory_space<hbm>>
    %dma_wait3A_52 = arith.constant 0 : i32
    %dma_wait3A_53 = tpu.memref_slice %arg7[%dma_wait3A_52] : memref<16384xf32, #tpu.memory_space<vmem>> -> memref<8192xf32, #tpu.memory_space<vmem>>
    %dma_wait3A_54 = tpu.memref_slice %arg3[%mul3A_2] : memref<524288xf32, #tpu.memory_space<hbm>> -> memref<8192xf32, #tpu.memory_space<hbm>>
    tpu.wait_dma2 semaphore(%arg10 : memref<!tpu.dma_semaphore, #tpu.memory_space<semaphore_mem>>) src(%dma_wait3A_54 : memref<8192xf32, #tpu.memory_space<hbm>>) dst(%dma_wait3A_53 : memref<8192xf32, #tpu.memory_space<vmem>>)
    %dma_wait3A_55 = arith.constant 0 : i32
    %dma_wait3A_56 = tpu.memref_slice %arg8[%dma_wait3A_55] : memref<16384xf32, #tpu.memory_space<vmem>> -> memref<8192xf32, #tpu.memory_space<vmem>>
    %dma_wait3A_57 = tpu.memref_slice %arg4[%mul3A_2] : memref<524288xf32, #tpu.memory_space<hbm>> -> memref<8192xf32, #tpu.memory_space<hbm>>
    %dma_wait3A_58 = arith.constant 0 : i32
    %dma_wait3A_59 = tpu.memref_slice %arg8[%dma_wait3A_58] : memref<16384xf32, #tpu.memory_space<vmem>> -> memref<8192xf32, #tpu.memory_space<vmem>>
    %dma_wait3A_60 = tpu.memref_slice %arg4[%mul3A_2] : memref<524288xf32, #tpu.memory_space<hbm>> -> memref<8192xf32, #tpu.memory_space<hbm>>
    tpu.wait_dma2 semaphore(%arg10 : memref<!tpu.dma_semaphore, #tpu.memory_space<semaphore_mem>>) src(%dma_wait3A_60 : memref<8192xf32, #tpu.memory_space<hbm>>) dst(%dma_wait3A_59 : memref<8192xf32, #tpu.memory_space<vmem>>)
    %iota3A = tpu.iota {dimensions = array<i32: 0>} : vector<16xi32>
    %eq3A = arith.constant 15 : i32
    %eq3A_61 = vector.broadcast %eq3A : i32 to vector<16xi32>
    %eq3A_62 = arith.cmpi eq, %iota3A, %eq3A_61 : vector<16xi32>
    %parallel_loop3A = arith.constant 0 : i32
    %parallel_loop3A_63 = arith.constant 128 : i32
    %parallel_loop3A_64 = arith.constant 1 : i32
    scf.for %parallel_loop3A_88 = %parallel_loop3A to %parallel_loop3A_63 step %parallel_loop3A_64  : i32 {
      %parallel_loop3A_89 = arith.constant 15 : i32
      %parallel_loop3A_90 = vector.broadcast %parallel_loop3A_89 : i32 to vector<16xi32>
      %parallel_loop3A_91 = arith.constant 64 : i32
      %parallel_loop3A_92 = arith.muli %parallel_loop3A_88, %parallel_loop3A_91 : i32
      %parallel_loop3A_93 = arith.constant 0 : i32
      %parallel_loop3A_94 = arith.addi %parallel_loop3A_92, %parallel_loop3A_93 : i32
      %parallel_loop3A_95 = arith.index_cast %parallel_loop3A_94 : i32 to index
      %parallel_loop3A_96 = tpu.vector_load %arg6[%parallel_loop3A_95] {strides = array<i32>} : memref<16384xf32, #tpu.memory_space<vmem>>, vector<16xf32>,
      %parallel_loop3A_97 = arith.index_cast %parallel_loop3A_94 : i32 to index
      %parallel_loop3A_98 = tpu.vector_load %arg8[%parallel_loop3A_97] {strides = array<i32>} : memref<16384xf32, #tpu.memory_space<vmem>>, vector<16xf32>,
      %parallel_loop3A_99 = arith.constant true
      %parallel_loop3A_100 = vector.broadcast %parallel_loop3A_99 : i1 to vector<16xi1>
      %parallel_loop3A_101 = tpu.scan <sum>, %parallel_loop3A_96 masked %parallel_loop3A_100 : vector<16xf32>, vector<16xi1> -> vector<16xf32>
      %parallel_loop3A_102 = arith.constant 64 : i32
      %parallel_loop3A_103 = arith.muli %parallel_loop3A_88, %parallel_loop3A_102 : i32
      %parallel_loop3A_104 = arith.constant 16 : i32
      %parallel_loop3A_105 = arith.addi %parallel_loop3A_103, %parallel_loop3A_104 : i32
      %parallel_loop3A_106 = arith.index_cast %parallel_loop3A_105 : i32 to index
      %parallel_loop3A_107 = tpu.vector_load %arg6[%parallel_loop3A_106] {strides = array<i32>} : memref<16384xf32, #tpu.memory_space<vmem>>, vector<16xf32>,
      %parallel_loop3A_108 = arith.index_cast %parallel_loop3A_105 : i32 to index
      %parallel_loop3A_109 = tpu.vector_load %arg8[%parallel_loop3A_108] {strides = array<i32>} : memref<16384xf32, #tpu.memory_space<vmem>>, vector<16xf32>,
      %parallel_loop3A_110 = arith.constant true
      %parallel_loop3A_111 = vector.broadcast %parallel_loop3A_110 : i1 to vector<16xi1>
      %parallel_loop3A_112 = tpu.scan <sum>, %parallel_loop3A_107 masked %parallel_loop3A_111 : vector<16xf32>, vector<16xi1> -> vector<16xf32>
      %parallel_loop3A_113 = arith.constant 64 : i32
      %parallel_loop3A_114 = arith.muli %parallel_loop3A_88, %parallel_loop3A_113 : i32
      %parallel_loop3A_115 = arith.constant 32 : i32
      %parallel_loop3A_116 = arith.addi %parallel_loop3A_114, %parallel_loop3A_115 : i32
      %parallel_loop3A_117 = arith.index_cast %parallel_loop3A_116 : i32 to index
      %parallel_loop3A_118 = tpu.vector_load %arg6[%parallel_loop3A_117] {strides = array<i32>} : memref<16384xf32, #tpu.memory_space<vmem>>, vector<16xf32>,
      %parallel_loop3A_119 = arith.index_cast %parallel_loop3A_116 : i32 to index
      %parallel_loop3A_120 = tpu.vector_load %arg8[%parallel_loop3A_119] {strides = array<i32>} : memref<16384xf32, #tpu.memory_space<vmem>>, vector<16xf32>,
      %parallel_loop3A_121 = arith.constant true
      %parallel_loop3A_122 = vector.broadcast %parallel_loop3A_121 : i1 to vector<16xi1>
      %parallel_loop3A_123 = tpu.scan <sum>, %parallel_loop3A_118 masked %parallel_loop3A_122 : vector<16xf32>, vector<16xi1> -> vector<16xf32>
      %parallel_loop3A_124 = arith.constant 64 : i32
      %parallel_loop3A_125 = arith.muli %parallel_loop3A_88, %parallel_loop3A_124 : i32
      %parallel_loop3A_126 = arith.constant 48 : i32
      %parallel_loop3A_127 = arith.addi %parallel_loop3A_125, %parallel_loop3A_126 : i32
      %parallel_loop3A_128 = arith.index_cast %parallel_loop3A_127 : i32 to index
      %parallel_loop3A_129 = tpu.vector_load %arg6[%parallel_loop3A_128] {strides = array<i32>} : memref<16384xf32, #tpu.memory_space<vmem>>, vector<16xf32>,
      %parallel_loop3A_130 = arith.index_cast %parallel_loop3A_127 : i32 to index
      %parallel_loop3A_131 = tpu.vector_load %arg8[%parallel_loop3A_130] {strides = array<i32>} : memref<16384xf32, #tpu.memory_space<vmem>>, vector<16xf32>,
      %parallel_loop3A_132 = arith.constant true
      %parallel_loop3A_133 = vector.broadcast %parallel_loop3A_132 : i1 to vector<16xi1>
      %parallel_loop3A_134 = tpu.scan <sum>, %parallel_loop3A_129 masked %parallel_loop3A_133 : vector<16xf32>, vector<16xi1> -> vector<16xf32>
      %parallel_loop3A_135 = arith.constant 0.000000e+00 : f32
      %parallel_loop3A_136 = vector.broadcast %parallel_loop3A_135 : f32 to vector<16xf32>
      %parallel_loop3A_137 = arith.constant 0.000000e+00 : f32
      %parallel_loop3A_138 = vector.broadcast %parallel_loop3A_137 : f32 to vector<16xf32>
      %parallel_loop3A_139 = arith.constant 0.000000e+00 : f32
      %parallel_loop3A_140 = vector.broadcast %parallel_loop3A_139 : f32 to vector<16xf32>
      %parallel_loop3A_141 = arith.constant 0.000000e+00 : f32
      %parallel_loop3A_142 = vector.broadcast %parallel_loop3A_141 : f32 to vector<16xf32>
      %parallel_loop3A_143 = arith.constant 0.000000e+00 : f32
      %parallel_loop3A_144 = vector.broadcast %parallel_loop3A_143 : f32 to vector<16xf32>
      %parallel_loop3A_145 = arith.constant 64 : i32
      %parallel_loop3A_146 = arith.muli %parallel_loop3A_88, %parallel_loop3A_145 : i32
      %parallel_loop3A_147 = arith.constant 0 : i32
      %parallel_loop3A_148 = arith.addi %parallel_loop3A_146, %parallel_loop3A_147 : i32
      %parallel_loop3A_149 = arith.index_cast %parallel_loop3A_148 : i32 to index
      %parallel_loop3A_150 = tpu.vector_load %arg7[%parallel_loop3A_149] {strides = array<i32>} : memref<16384xf32, #tpu.memory_space<vmem>>, vector<16xf32>,
      %parallel_loop3A_151 = arith.mulf %parallel_loop3A_96, %parallel_loop3A_98 : vector<16xf32>
      %parallel_loop3A_152 = arith.subf %parallel_loop3A_101, %parallel_loop3A_96 : vector<16xf32>
      %parallel_loop3A_153 = arith.addf %parallel_loop3A_152, %parallel_loop3A_144 : vector<16xf32>
      %parallel_loop3A_154 = arith.mulf %parallel_loop3A_151, %parallel_loop3A_153 : vector<16xf32>
      %parallel_loop3A_155 = arith.addf %parallel_loop3A_136, %parallel_loop3A_154 : vector<16xf32>
      %parallel_loop3A_156 = arith.mulf %parallel_loop3A_151, %parallel_loop3A_96 : vector<16xf32>
      %parallel_loop3A_157 = arith.addf %parallel_loop3A_138, %parallel_loop3A_156 : vector<16xf32>
      %parallel_loop3A_158 = arith.addf %parallel_loop3A_140, %parallel_loop3A_151 : vector<16xf32>
      %parallel_loop3A_159 = arith.mulf %parallel_loop3A_96, %parallel_loop3A_96 : vector<16xf32>
      %parallel_loop3A_160 = arith.mulf %parallel_loop3A_159, %parallel_loop3A_150 : vector<16xf32>
      %parallel_loop3A_161 = arith.addf %parallel_loop3A_142, %parallel_loop3A_160 : vector<16xf32>
      %parallel_loop3A_162 = arith.constant 0 : i32
      %parallel_loop3A_163 = vector.broadcast %parallel_loop3A_162 : i32 to vector<16xi32>
      %parallel_loop3A_164 = arith.cmpi slt, %parallel_loop3A_90, %parallel_loop3A_163 : vector<16xi32>
      %parallel_loop3A_165 = arith.constant 16 : i32
      %parallel_loop3A_166 = vector.broadcast %parallel_loop3A_165 : i32 to vector<16xi32>
      %parallel_loop3A_167 = arith.addi %parallel_loop3A_90, %parallel_loop3A_166 : vector<16xi32>
      %parallel_loop3A_168 = arith.select %parallel_loop3A_164, %parallel_loop3A_167, %parallel_loop3A_90 : vector<16xi1>, vector<16xi32>
      %parallel_loop3A_169 = vector.shape_cast %parallel_loop3A_168 : vector<16xi32> to vector<16x1xi32>
      %parallel_loop3A_170 = vector.shape_cast %parallel_loop3A_169 : vector<16x1xi32> to vector<16xi32>
      %parallel_loop3A_171 = tpu.dynamic_gather %parallel_loop3A_101[%parallel_loop3A_170] in [0] : vector<16xf32>, vector<16xi32> -> vector<16xf32>
      %parallel_loop3A_172 = arith.addf %parallel_loop3A_144, %parallel_loop3A_171 : vector<16xf32>
      %parallel_loop3A_173 = arith.constant 64 : i32
      %parallel_loop3A_174 = arith.muli %parallel_loop3A_88, %parallel_loop3A_173 : i32
      %parallel_loop3A_175 = arith.constant 16 : i32
      %parallel_loop3A_176 = arith.addi %parallel_loop3A_174, %parallel_loop3A_175 : i32
      %parallel_loop3A_177 = arith.index_cast %parallel_loop3A_176 : i32 to index
      %parallel_loop3A_178 = tpu.vector_load %arg7[%parallel_loop3A_177] {strides = array<i32>} : memref<16384xf32, #tpu.memory_space<vmem>>, vector<16xf32>,
      %parallel_loop3A_179 = arith.mulf %parallel_loop3A_107, %parallel_loop3A_109 : vector<16xf32>
      %parallel_loop3A_180 = arith.subf %parallel_loop3A_112, %parallel_loop3A_107 : vector<16xf32>
      %parallel_loop3A_181 = arith.addf %parallel_loop3A_180, %parallel_loop3A_172 : vector<16xf32>
      %parallel_loop3A_182 = arith.mulf %parallel_loop3A_179, %parallel_loop3A_181 : vector<16xf32>
      %parallel_loop3A_183 = arith.addf %parallel_loop3A_155, %parallel_loop3A_182 : vector<16xf32>
      %parallel_loop3A_184 = arith.mulf %parallel_loop3A_179, %parallel_loop3A_107 : vector<16xf32>
      %parallel_loop3A_185 = arith.addf %parallel_loop3A_157, %parallel_loop3A_184 : vector<16xf32>
      %parallel_loop3A_186 = arith.addf %parallel_loop3A_158, %parallel_loop3A_179 : vector<16xf32>
      %parallel_loop3A_187 = arith.mulf %parallel_loop3A_107, %parallel_loop3A_107 : vector<16xf32>
      %parallel_loop3A_188 = arith.mulf %parallel_loop3A_187, %parallel_loop3A_178 : vector<16xf32>
      %parallel_loop3A_189 = arith.addf %parallel_loop3A_161, %parallel_loop3A_188 : vector<16xf32>
      %parallel_loop3A_190 = arith.constant 0 : i32
      %parallel_loop3A_191 = vector.broadcast %parallel_loop3A_190 : i32 to vector<16xi32>
      %parallel_loop3A_192 = arith.cmpi slt, %parallel_loop3A_90, %parallel_loop3A_191 : vector<16xi32>
      %parallel_loop3A_193 = arith.constant 16 : i32
      %parallel_loop3A_194 = vector.broadcast %parallel_loop3A_193 : i32 to vector<16xi32>
      %parallel_loop3A_195 = arith.addi %parallel_loop3A_90, %parallel_loop3A_194 : vector<16xi32>
      %parallel_loop3A_196 = arith.select %parallel_loop3A_192, %parallel_loop3A_195, %parallel_loop3A_90 : vector<16xi1>, vector<16xi32>
      %parallel_loop3A_197 = vector.shape_cast %parallel_loop3A_196 : vector<16xi32> to vector<16x1xi32>
      %parallel_loop3A_198 = vector.shape_cast %parallel_loop3A_197 : vector<16x1xi32> to vector<16xi32>
      %parallel_loop3A_199 = tpu.dynamic_gather %parallel_loop3A_112[%parallel_loop3A_198] in [0] : vector<16xf32>, vector<16xi32> -> vector<16xf32>
      %parallel_loop3A_200 = arith.addf %parallel_loop3A_172, %parallel_loop3A_199 : vector<16xf32>
      %parallel_loop3A_201 = arith.constant 64 : i32
      %parallel_loop3A_202 = arith.muli %parallel_loop3A_88, %parallel_loop3A_201 : i32
      %parallel_loop3A_203 = arith.constant 32 : i32
      %parallel_loop3A_204 = arith.addi %parallel_loop3A_202, %parallel_loop3A_203 : i32
      %parallel_loop3A_205 = arith.index_cast %parallel_loop3A_204 : i32 to index
      %parallel_loop3A_206 = tpu.vector_load %arg7[%parallel_loop3A_205] {strides = array<i32>} : memref<16384xf32, #tpu.memory_space<vmem>>, vector<16xf32>,
      %parallel_loop3A_207 = arith.mulf %parallel_loop3A_118, %parallel_loop3A_120 : vector<16xf32>
      %parallel_loop3A_208 = arith.subf %parallel_loop3A_123, %parallel_loop3A_118 : vector<16xf32>
      %parallel_loop3A_209 = arith.addf %parallel_loop3A_208, %parallel_loop3A_200 : vector<16xf32>
      %parallel_loop3A_210 = arith.mulf %parallel_loop3A_207, %parallel_loop3A_209 : vector<16xf32>
      %parallel_loop3A_211 = arith.addf %parallel_loop3A_183, %parallel_loop3A_210 : vector<16xf32>
      %parallel_loop3A_212 = arith.mulf %parallel_loop3A_207, %parallel_loop3A_118 : vector<16xf32>
      %parallel_loop3A_213 = arith.addf %parallel_loop3A_185, %parallel_loop3A_212 : vector<16xf32>
      %parallel_loop3A_214 = arith.addf %parallel_loop3A_186, %parallel_loop3A_207 : vector<16xf32>
      %parallel_loop3A_215 = arith.mulf %parallel_loop3A_118, %parallel_loop3A_118 : vector<16xf32>
      %parallel_loop3A_216 = arith.mulf %parallel_loop3A_215, %parallel_loop3A_206 : vector<16xf32>
      %parallel_loop3A_217 = arith.addf %parallel_loop3A_189, %parallel_loop3A_216 : vector<16xf32>
      %parallel_loop3A_218 = arith.constant 0 : i32
      %parallel_loop3A_219 = vector.broadcast %parallel_loop3A_218 : i32 to vector<16xi32>
      %parallel_loop3A_220 = arith.cmpi slt, %parallel_loop3A_90, %parallel_loop3A_219 : vector<16xi32>
      %parallel_loop3A_221 = arith.constant 16 : i32
      %parallel_loop3A_222 = vector.broadcast %parallel_loop3A_221 : i32 to vector<16xi32>
      %parallel_loop3A_223 = arith.addi %parallel_loop3A_90, %parallel_loop3A_222 : vector<16xi32>
      %parallel_loop3A_224 = arith.select %parallel_loop3A_220, %parallel_loop3A_223, %parallel_loop3A_90 : vector<16xi1>, vector<16xi32>
      %parallel_loop3A_225 = vector.shape_cast %parallel_loop3A_224 : vector<16xi32> to vector<16x1xi32>
      %parallel_loop3A_226 = vector.shape_cast %parallel_loop3A_225 : vector<16x1xi32> to vector<16xi32>
      %parallel_loop3A_227 = tpu.dynamic_gather %parallel_loop3A_123[%parallel_loop3A_226] in [0] : vector<16xf32>, vector<16xi32> -> vector<16xf32>
      %parallel_loop3A_228 = arith.addf %parallel_loop3A_200, %parallel_loop3A_227 : vector<16xf32>
      %parallel_loop3A_229 = arith.constant 64 : i32
      %parallel_loop3A_230 = arith.muli %parallel_loop3A_88, %parallel_loop3A_229 : i32
      %parallel_loop3A_231 = arith.constant 48 : i32
      %parallel_loop3A_232 = arith.addi %parallel_loop3A_230, %parallel_loop3A_231 : i32
      %parallel_loop3A_233 = arith.index_cast %parallel_loop3A_232 : i32 to index
      %parallel_loop3A_234 = tpu.vector_load %arg7[%parallel_loop3A_233] {strides = array<i32>} : memref<16384xf32, #tpu.memory_space<vmem>>, vector<16xf32>,
      %parallel_loop3A_235 = arith.mulf %parallel_loop3A_129, %parallel_loop3A_131 : vector<16xf32>
      %parallel_loop3A_236 = arith.subf %parallel_loop3A_134, %parallel_loop3A_129 : vector<16xf32>
      %parallel_loop3A_237 = arith.addf %parallel_loop3A_236, %parallel_loop3A_228 : vector<16xf32>
      %parallel_loop3A_238 = arith.mulf %parallel_loop3A_235, %parallel_loop3A_237 : vector<16xf32>
      %parallel_loop3A_239 = arith.addf %parallel_loop3A_211, %parallel_loop3A_238 : vector<16xf32>
      %parallel_loop3A_240 = arith.mulf %parallel_loop3A_235, %parallel_loop3A_129 : vector<16xf32>
      %parallel_loop3A_241 = arith.addf %parallel_loop3A_213, %parallel_loop3A_240 : vector<16xf32>
      %parallel_loop3A_242 = arith.addf %parallel_loop3A_214, %parallel_loop3A_235 : vector<16xf32>
      %parallel_loop3A_243 = arith.mulf %parallel_loop3A_129, %parallel_loop3A_129 : vector<16xf32>
      %parallel_loop3A_244 = arith.mulf %parallel_loop3A_243, %parallel_loop3A_234 : vector<16xf32>
      %parallel_loop3A_245 = arith.addf %parallel_loop3A_217, %parallel_loop3A_244 : vector<16xf32>
      %parallel_loop3A_246 = arith.constant 0 : i32
      %parallel_loop3A_247 = vector.broadcast %parallel_loop3A_246 : i32 to vector<16xi32>
      %parallel_loop3A_248 = arith.cmpi slt, %parallel_loop3A_90, %parallel_loop3A_247 : vector<16xi32>
      %parallel_loop3A_249 = arith.constant 16 : i32
      %parallel_loop3A_250 = vector.broadcast %parallel_loop3A_249 : i32 to vector<16xi32>
      %parallel_loop3A_251 = arith.addi %parallel_loop3A_90, %parallel_loop3A_250 : vector<16xi32>
      %parallel_loop3A_252 = arith.select %parallel_loop3A_248, %parallel_loop3A_251, %parallel_loop3A_90 : vector<16xi1>, vector<16xi32>
      %parallel_loop3A_253 = vector.shape_cast %parallel_loop3A_252 : vector<16xi32> to vector<16x1xi32>
      %parallel_loop3A_254 = vector.shape_cast %parallel_loop3A_253 : vector<16x1xi32> to vector<16xi32>
      %parallel_loop3A_255 = tpu.dynamic_gather %parallel_loop3A_134[%parallel_loop3A_254] in [0] : vector<16xf32>, vector<16xi32> -> vector<16xf32>
      %parallel_loop3A_256 = arith.addf %parallel_loop3A_228, %parallel_loop3A_255 : vector<16xf32>
      %parallel_loop3A_257 = arith.constant 4.000000e+00 : f32
      %parallel_loop3A_258 = vector.broadcast %parallel_loop3A_257 : f32 to vector<16xf32>
      %parallel_loop3A_259 = arith.mulf %parallel_loop3A_258, %parallel_loop3A_239 : vector<16xf32>
      %parallel_loop3A_260 = arith.constant 2.000000e+00 : f32
      %parallel_loop3A_261 = vector.broadcast %parallel_loop3A_260 : f32 to vector<16xf32>
      %parallel_loop3A_262 = arith.mulf %parallel_loop3A_261, %parallel_loop3A_241 : vector<16xf32>
      %parallel_loop3A_263 = arith.addf %parallel_loop3A_259, %parallel_loop3A_262 : vector<16xf32>
      %parallel_loop3A_264 = arith.constant 0.333333343 : f32
      %parallel_loop3A_265 = vector.broadcast %parallel_loop3A_264 : f32 to vector<16xf32>
      %parallel_loop3A_266 = arith.mulf %parallel_loop3A_265, %parallel_loop3A_245 : vector<16xf32>
      %parallel_loop3A_267 = arith.addf %parallel_loop3A_263, %parallel_loop3A_266 : vector<16xf32>
      %parallel_loop3A_268 = arith.constant 2.000000e+00 : f32
      %parallel_loop3A_269 = vector.broadcast %parallel_loop3A_268 : f32 to vector<16xf32>
      %parallel_loop3A_270 = arith.mulf %parallel_loop3A_269, %parallel_loop3A_256 : vector<16xf32>
      %parallel_loop3A_271 = arith.mulf %parallel_loop3A_270, %parallel_loop3A_242 : vector<16xf32>
      %parallel_loop3A_272 = arith.subf %parallel_loop3A_267, %parallel_loop3A_271 : vector<16xf32>
      %parallel_loop3A_273 = arith.constant true
      %parallel_loop3A_274 = vector.broadcast %parallel_loop3A_273 : i1 to vector<16xi1>
      %parallel_loop3A_275 = tpu.scan <sum>, %parallel_loop3A_272 masked %parallel_loop3A_274 : vector<16xf32>, vector<16xi1> -> vector<16xf32>
      %parallel_loop3A_276 = arith.constant 1.000000e-03 : f32
      %parallel_loop3A_277 = vector.broadcast %parallel_loop3A_276 : f32 to vector<16xf32>
      %parallel_loop3A_278 = arith.mulf %parallel_loop3A_275, %parallel_loop3A_277 : vector<16xf32>
      %parallel_loop3A_279 = vector.broadcast %parallel_loop3A_88 : i32 to vector<16xi32>
      tpu.vector_store_idx %arg9[%parallel_loop3A_279], %parallel_loop3A_278 masked %eq3A_62 : memref<256xf32, #tpu.memory_space<vmem>>[vector<16xi32>], vector<16xf32>, vector<16xi1>
    } {sc.loop_unroll_factor = 1 : i64, sc.parallel_access}
    %dma_wait3A_65 = arith.constant 8192 : i32
    %dma_wait3A_66 = tpu.memref_slice %arg6[%dma_wait3A_65] : memref<16384xf32, #tpu.memory_space<vmem>> -> memref<8192xf32, #tpu.memory_space<vmem>>
    %dma_wait3A_67 = tpu.memref_slice %arg2[%add3A_4] : memref<524288xf32, #tpu.memory_space<hbm>> -> memref<8192xf32, #tpu.memory_space<hbm>>
    %dma_wait3A_68 = arith.constant 8192 : i32
    %dma_wait3A_69 = tpu.memref_slice %arg6[%dma_wait3A_68] : memref<16384xf32, #tpu.memory_space<vmem>> -> memref<8192xf32, #tpu.memory_space<vmem>>
    %dma_wait3A_70 = tpu.memref_slice %arg2[%add3A_4] : memref<524288xf32, #tpu.memory_space<hbm>> -> memref<8192xf32, #tpu.memory_space<hbm>>
    tpu.wait_dma2 semaphore(%arg11 : memref<!tpu.dma_semaphore, #tpu.memory_space<semaphore_mem>>) src(%dma_wait3A_70 : memref<8192xf32, #tpu.memory_space<hbm>>) dst(%dma_wait3A_69 : memref<8192xf32, #tpu.memory_space<vmem>>)
    %dma_wait3A_71 = arith.constant 8192 : i32
    %dma_wait3A_72 = tpu.memref_slice %arg7[%dma_wait3A_71] : memref<16384xf32, #tpu.memory_space<vmem>> -> memref<8192xf32, #tpu.memory_space<vmem>>
    %dma_wait3A_73 = tpu.memref_slice %arg3[%add3A_6] : memref<524288xf32, #tpu.memory_space<hbm>> -> memref<8192xf32, #tpu.memory_space<hbm>>
    %dma_wait3A_74 = arith.constant 8192 : i32
    %dma_wait3A_75 = tpu.memref_slice %arg7[%dma_wait3A_74] : memref<16384xf32, #tpu.memory_space<vmem>> -> memref<8192xf32, #tpu.memory_space<vmem>>
    %dma_wait3A_76 = tpu.memref_slice %arg3[%add3A_6] : memref<524288xf32, #tpu.memory_space<hbm>> -> memref<8192xf32, #tpu.memory_space<hbm>>
    tpu.wait_dma2 semaphore(%arg11 : memref<!tpu.dma_semaphore, #tpu.memory_space<semaphore_mem>>) src(%dma_wait3A_76 : memref<8192xf32, #tpu.memory_space<hbm>>) dst(%dma_wait3A_75 : memref<8192xf32, #tpu.memory_space<vmem>>)
    %dma_wait3A_77 = arith.constant 8192 : i32
    %dma_wait3A_78 = tpu.memref_slice %arg8[%dma_wait3A_77] : memref<16384xf32, #tpu.memory_space<vmem>> -> memref<8192xf32, #tpu.memory_space<vmem>>
    %dma_wait3A_79 = tpu.memref_slice %arg4[%add3A_8] : memref<524288xf32, #tpu.memory_space<hbm>> -> memref<8192xf32, #tpu.memory_space<hbm>>
    %dma_wait3A_80 = arith.constant 8192 : i32
    %dma_wait3A_81 = tpu.memref_slice %arg8[%dma_wait3A_80] : memref<16384xf32, #tpu.memory_space<vmem>> -> memref<8192xf32, #tpu.memory_space<vmem>>
    %dma_wait3A_82 = tpu.memref_slice %arg4[%add3A_8] : memref<524288xf32, #tpu.memory_space<hbm>> -> memref<8192xf32, #tpu.memory_space<hbm>>
    tpu.wait_dma2 semaphore(%arg11 : memref<!tpu.dma_semaphore, #tpu.memory_space<semaphore_mem>>) src(%dma_wait3A_82 : memref<8192xf32, #tpu.memory_space<hbm>>) dst(%dma_wait3A_81 : memref<8192xf32, #tpu.memory_space<vmem>>)
    %parallel_loop3A_83 = arith.constant 128 : i32
    %parallel_loop3A_84 = arith.constant 256 : i32
    %parallel_loop3A_85 = arith.constant 1 : i32
    scf.for %parallel_loop3A_88 = %parallel_loop3A_83 to %parallel_loop3A_84 step %parallel_loop3A_85  : i32 {
      %parallel_loop3A_89 = arith.constant 15 : i32
      %parallel_loop3A_90 = vector.broadcast %parallel_loop3A_89 : i32 to vector<16xi32>
      %parallel_loop3A_91 = arith.constant 64 : i32
      %parallel_loop3A_92 = arith.muli %parallel_loop3A_88, %parallel_loop3A_91 : i32
      %parallel_loop3A_93 = arith.constant 0 : i32
      %parallel_loop3A_94 = arith.addi %parallel_loop3A_92, %parallel_loop3A_93 : i32
      %parallel_loop3A_95 = arith.index_cast %parallel_loop3A_94 : i32 to index
      %parallel_loop3A_96 = tpu.vector_load %arg6[%parallel_loop3A_95] {strides = array<i32>} : memref<16384xf32, #tpu.memory_space<vmem>>, vector<16xf32>,
      %parallel_loop3A_97 = arith.index_cast %parallel_loop3A_94 : i32 to index
      %parallel_loop3A_98 = tpu.vector_load %arg8[%parallel_loop3A_97] {strides = array<i32>} : memref<16384xf32, #tpu.memory_space<vmem>>, vector<16xf32>,
      %parallel_loop3A_99 = arith.constant true
      %parallel_loop3A_100 = vector.broadcast %parallel_loop3A_99 : i1 to vector<16xi1>
      %parallel_loop3A_101 = tpu.scan <sum>, %parallel_loop3A_96 masked %parallel_loop3A_100 : vector<16xf32>, vector<16xi1> -> vector<16xf32>
      %parallel_loop3A_102 = arith.constant 64 : i32
      %parallel_loop3A_103 = arith.muli %parallel_loop3A_88, %parallel_loop3A_102 : i32
      %parallel_loop3A_104 = arith.constant 16 : i32
      %parallel_loop3A_105 = arith.addi %parallel_loop3A_103, %parallel_loop3A_104 : i32
      %parallel_loop3A_106 = arith.index_cast %parallel_loop3A_105 : i32 to index
      %parallel_loop3A_107 = tpu.vector_load %arg6[%parallel_loop3A_106] {strides = array<i32>} : memref<16384xf32, #tpu.memory_space<vmem>>, vector<16xf32>,
      %parallel_loop3A_108 = arith.index_cast %parallel_loop3A_105 : i32 to index
      %parallel_loop3A_109 = tpu.vector_load %arg8[%parallel_loop3A_108] {strides = array<i32>} : memref<16384xf32, #tpu.memory_space<vmem>>, vector<16xf32>,
      %parallel_loop3A_110 = arith.constant true
      %parallel_loop3A_111 = vector.broadcast %parallel_loop3A_110 : i1 to vector<16xi1>
      %parallel_loop3A_112 = tpu.scan <sum>, %parallel_loop3A_107 masked %parallel_loop3A_111 : vector<16xf32>, vector<16xi1> -> vector<16xf32>
      %parallel_loop3A_113 = arith.constant 64 : i32
      %parallel_loop3A_114 = arith.muli %parallel_loop3A_88, %parallel_loop3A_113 : i32
      %parallel_loop3A_115 = arith.constant 32 : i32
      %parallel_loop3A_116 = arith.addi %parallel_loop3A_114, %parallel_loop3A_115 : i32
      %parallel_loop3A_117 = arith.index_cast %parallel_loop3A_116 : i32 to index
      %parallel_loop3A_118 = tpu.vector_load %arg6[%parallel_loop3A_117] {strides = array<i32>} : memref<16384xf32, #tpu.memory_space<vmem>>, vector<16xf32>,
      %parallel_loop3A_119 = arith.index_cast %parallel_loop3A_116 : i32 to index
      %parallel_loop3A_120 = tpu.vector_load %arg8[%parallel_loop3A_119] {strides = array<i32>} : memref<16384xf32, #tpu.memory_space<vmem>>, vector<16xf32>,
      %parallel_loop3A_121 = arith.constant true
      %parallel_loop3A_122 = vector.broadcast %parallel_loop3A_121 : i1 to vector<16xi1>
      %parallel_loop3A_123 = tpu.scan <sum>, %parallel_loop3A_118 masked %parallel_loop3A_122 : vector<16xf32>, vector<16xi1> -> vector<16xf32>
      %parallel_loop3A_124 = arith.constant 64 : i32
      %parallel_loop3A_125 = arith.muli %parallel_loop3A_88, %parallel_loop3A_124 : i32
      %parallel_loop3A_126 = arith.constant 48 : i32
      %parallel_loop3A_127 = arith.addi %parallel_loop3A_125, %parallel_loop3A_126 : i32
      %parallel_loop3A_128 = arith.index_cast %parallel_loop3A_127 : i32 to index
      %parallel_loop3A_129 = tpu.vector_load %arg6[%parallel_loop3A_128] {strides = array<i32>} : memref<16384xf32, #tpu.memory_space<vmem>>, vector<16xf32>,
      %parallel_loop3A_130 = arith.index_cast %parallel_loop3A_127 : i32 to index
      %parallel_loop3A_131 = tpu.vector_load %arg8[%parallel_loop3A_130] {strides = array<i32>} : memref<16384xf32, #tpu.memory_space<vmem>>, vector<16xf32>,
      %parallel_loop3A_132 = arith.constant true
      %parallel_loop3A_133 = vector.broadcast %parallel_loop3A_132 : i1 to vector<16xi1>
      %parallel_loop3A_134 = tpu.scan <sum>, %parallel_loop3A_129 masked %parallel_loop3A_133 : vector<16xf32>, vector<16xi1> -> vector<16xf32>
      %parallel_loop3A_135 = arith.constant 0.000000e+00 : f32
      %parallel_loop3A_136 = vector.broadcast %parallel_loop3A_135 : f32 to vector<16xf32>
      %parallel_loop3A_137 = arith.constant 0.000000e+00 : f32
      %parallel_loop3A_138 = vector.broadcast %parallel_loop3A_137 : f32 to vector<16xf32>
      %parallel_loop3A_139 = arith.constant 0.000000e+00 : f32
      %parallel_loop3A_140 = vector.broadcast %parallel_loop3A_139 : f32 to vector<16xf32>
      %parallel_loop3A_141 = arith.constant 0.000000e+00 : f32
      %parallel_loop3A_142 = vector.broadcast %parallel_loop3A_141 : f32 to vector<16xf32>
      %parallel_loop3A_143 = arith.constant 0.000000e+00 : f32
      %parallel_loop3A_144 = vector.broadcast %parallel_loop3A_143 : f32 to vector<16xf32>
      %parallel_loop3A_145 = arith.constant 64 : i32
      %parallel_loop3A_146 = arith.muli %parallel_loop3A_88, %parallel_loop3A_145 : i32
      %parallel_loop3A_147 = arith.constant 0 : i32
      %parallel_loop3A_148 = arith.addi %parallel_loop3A_146, %parallel_loop3A_147 : i32
      %parallel_loop3A_149 = arith.index_cast %parallel_loop3A_148 : i32 to index
      %parallel_loop3A_150 = tpu.vector_load %arg7[%parallel_loop3A_149] {strides = array<i32>} : memref<16384xf32, #tpu.memory_space<vmem>>, vector<16xf32>,
      %parallel_loop3A_151 = arith.mulf %parallel_loop3A_96, %parallel_loop3A_98 : vector<16xf32>
      %parallel_loop3A_152 = arith.subf %parallel_loop3A_101, %parallel_loop3A_96 : vector<16xf32>
      %parallel_loop3A_153 = arith.addf %parallel_loop3A_152, %parallel_loop3A_144 : vector<16xf32>
      %parallel_loop3A_154 = arith.mulf %parallel_loop3A_151, %parallel_loop3A_153 : vector<16xf32>
      %parallel_loop3A_155 = arith.addf %parallel_loop3A_136, %parallel_loop3A_154 : vector<16xf32>
      %parallel_loop3A_156 = arith.mulf %parallel_loop3A_151, %parallel_loop3A_96 : vector<16xf32>
      %parallel_loop3A_157 = arith.addf %parallel_loop3A_138, %parallel_loop3A_156 : vector<16xf32>
      %parallel_loop3A_158 = arith.addf %parallel_loop3A_140, %parallel_loop3A_151 : vector<16xf32>
      %parallel_loop3A_159 = arith.mulf %parallel_loop3A_96, %parallel_loop3A_96 : vector<16xf32>
      %parallel_loop3A_160 = arith.mulf %parallel_loop3A_159, %parallel_loop3A_150 : vector<16xf32>
      %parallel_loop3A_161 = arith.addf %parallel_loop3A_142, %parallel_loop3A_160 : vector<16xf32>
      %parallel_loop3A_162 = arith.constant 0 : i32
      %parallel_loop3A_163 = vector.broadcast %parallel_loop3A_162 : i32 to vector<16xi32>
      %parallel_loop3A_164 = arith.cmpi slt, %parallel_loop3A_90, %parallel_loop3A_163 : vector<16xi32>
      %parallel_loop3A_165 = arith.constant 16 : i32
      %parallel_loop3A_166 = vector.broadcast %parallel_loop3A_165 : i32 to vector<16xi32>
      %parallel_loop3A_167 = arith.addi %parallel_loop3A_90, %parallel_loop3A_166 : vector<16xi32>
      %parallel_loop3A_168 = arith.select %parallel_loop3A_164, %parallel_loop3A_167, %parallel_loop3A_90 : vector<16xi1>, vector<16xi32>
      %parallel_loop3A_169 = vector.shape_cast %parallel_loop3A_168 : vector<16xi32> to vector<16x1xi32>
      %parallel_loop3A_170 = vector.shape_cast %parallel_loop3A_169 : vector<16x1xi32> to vector<16xi32>
      %parallel_loop3A_171 = tpu.dynamic_gather %parallel_loop3A_101[%parallel_loop3A_170] in [0] : vector<16xf32>, vector<16xi32> -> vector<16xf32>
      %parallel_loop3A_172 = arith.addf %parallel_loop3A_144, %parallel_loop3A_171 : vector<16xf32>
      %parallel_loop3A_173 = arith.constant 64 : i32
      %parallel_loop3A_174 = arith.muli %parallel_loop3A_88, %parallel_loop3A_173 : i32
      %parallel_loop3A_175 = arith.constant 16 : i32
      %parallel_loop3A_176 = arith.addi %parallel_loop3A_174, %parallel_loop3A_175 : i32
      %parallel_loop3A_177 = arith.index_cast %parallel_loop3A_176 : i32 to index
      %parallel_loop3A_178 = tpu.vector_load %arg7[%parallel_loop3A_177] {strides = array<i32>} : memref<16384xf32, #tpu.memory_space<vmem>>, vector<16xf32>,
      %parallel_loop3A_179 = arith.mulf %parallel_loop3A_107, %parallel_loop3A_109 : vector<16xf32>
      %parallel_loop3A_180 = arith.subf %parallel_loop3A_112, %parallel_loop3A_107 : vector<16xf32>
      %parallel_loop3A_181 = arith.addf %parallel_loop3A_180, %parallel_loop3A_172 : vector<16xf32>
      %parallel_loop3A_182 = arith.mulf %parallel_loop3A_179, %parallel_loop3A_181 : vector<16xf32>
      %parallel_loop3A_183 = arith.addf %parallel_loop3A_155, %parallel_loop3A_182 : vector<16xf32>
      %parallel_loop3A_184 = arith.mulf %parallel_loop3A_179, %parallel_loop3A_107 : vector<16xf32>
      %parallel_loop3A_185 = arith.addf %parallel_loop3A_157, %parallel_loop3A_184 : vector<16xf32>
      %parallel_loop3A_186 = arith.addf %parallel_loop3A_158, %parallel_loop3A_179 : vector<16xf32>
      %parallel_loop3A_187 = arith.mulf %parallel_loop3A_107, %parallel_loop3A_107 : vector<16xf32>
      %parallel_loop3A_188 = arith.mulf %parallel_loop3A_187, %parallel_loop3A_178 : vector<16xf32>
      %parallel_loop3A_189 = arith.addf %parallel_loop3A_161, %parallel_loop3A_188 : vector<16xf32>
      %parallel_loop3A_190 = arith.constant 0 : i32
      %parallel_loop3A_191 = vector.broadcast %parallel_loop3A_190 : i32 to vector<16xi32>
      %parallel_loop3A_192 = arith.cmpi slt, %parallel_loop3A_90, %parallel_loop3A_191 : vector<16xi32>
      %parallel_loop3A_193 = arith.constant 16 : i32
      %parallel_loop3A_194 = vector.broadcast %parallel_loop3A_193 : i32 to vector<16xi32>
      %parallel_loop3A_195 = arith.addi %parallel_loop3A_90, %parallel_loop3A_194 : vector<16xi32>
      %parallel_loop3A_196 = arith.select %parallel_loop3A_192, %parallel_loop3A_195, %parallel_loop3A_90 : vector<16xi1>, vector<16xi32>
      %parallel_loop3A_197 = vector.shape_cast %parallel_loop3A_196 : vector<16xi32> to vector<16x1xi32>
      %parallel_loop3A_198 = vector.shape_cast %parallel_loop3A_197 : vector<16x1xi32> to vector<16xi32>
      %parallel_loop3A_199 = tpu.dynamic_gather %parallel_loop3A_112[%parallel_loop3A_198] in [0] : vector<16xf32>, vector<16xi32> -> vector<16xf32>
      %parallel_loop3A_200 = arith.addf %parallel_loop3A_172, %parallel_loop3A_199 : vector<16xf32>
      %parallel_loop3A_201 = arith.constant 64 : i32
      %parallel_loop3A_202 = arith.muli %parallel_loop3A_88, %parallel_loop3A_201 : i32
      %parallel_loop3A_203 = arith.constant 32 : i32
      %parallel_loop3A_204 = arith.addi %parallel_loop3A_202, %parallel_loop3A_203 : i32
      %parallel_loop3A_205 = arith.index_cast %parallel_loop3A_204 : i32 to index
      %parallel_loop3A_206 = tpu.vector_load %arg7[%parallel_loop3A_205] {strides = array<i32>} : memref<16384xf32, #tpu.memory_space<vmem>>, vector<16xf32>,
      %parallel_loop3A_207 = arith.mulf %parallel_loop3A_118, %parallel_loop3A_120 : vector<16xf32>
      %parallel_loop3A_208 = arith.subf %parallel_loop3A_123, %parallel_loop3A_118 : vector<16xf32>
      %parallel_loop3A_209 = arith.addf %parallel_loop3A_208, %parallel_loop3A_200 : vector<16xf32>
      %parallel_loop3A_210 = arith.mulf %parallel_loop3A_207, %parallel_loop3A_209 : vector<16xf32>
      %parallel_loop3A_211 = arith.addf %parallel_loop3A_183, %parallel_loop3A_210 : vector<16xf32>
      %parallel_loop3A_212 = arith.mulf %parallel_loop3A_207, %parallel_loop3A_118 : vector<16xf32>
      %parallel_loop3A_213 = arith.addf %parallel_loop3A_185, %parallel_loop3A_212 : vector<16xf32>
      %parallel_loop3A_214 = arith.addf %parallel_loop3A_186, %parallel_loop3A_207 : vector<16xf32>
      %parallel_loop3A_215 = arith.mulf %parallel_loop3A_118, %parallel_loop3A_118 : vector<16xf32>
      %parallel_loop3A_216 = arith.mulf %parallel_loop3A_215, %parallel_loop3A_206 : vector<16xf32>
      %parallel_loop3A_217 = arith.addf %parallel_loop3A_189, %parallel_loop3A_216 : vector<16xf32>
      %parallel_loop3A_218 = arith.constant 0 : i32
      %parallel_loop3A_219 = vector.broadcast %parallel_loop3A_218 : i32 to vector<16xi32>
      %parallel_loop3A_220 = arith.cmpi slt, %parallel_loop3A_90, %parallel_loop3A_219 : vector<16xi32>
      %parallel_loop3A_221 = arith.constant 16 : i32
      %parallel_loop3A_222 = vector.broadcast %parallel_loop3A_221 : i32 to vector<16xi32>
      %parallel_loop3A_223 = arith.addi %parallel_loop3A_90, %parallel_loop3A_222 : vector<16xi32>
      %parallel_loop3A_224 = arith.select %parallel_loop3A_220, %parallel_loop3A_223, %parallel_loop3A_90 : vector<16xi1>, vector<16xi32>
      %parallel_loop3A_225 = vector.shape_cast %parallel_loop3A_224 : vector<16xi32> to vector<16x1xi32>
      %parallel_loop3A_226 = vector.shape_cast %parallel_loop3A_225 : vector<16x1xi32> to vector<16xi32>
      %parallel_loop3A_227 = tpu.dynamic_gather %parallel_loop3A_123[%parallel_loop3A_226] in [0] : vector<16xf32>, vector<16xi32> -> vector<16xf32>
      %parallel_loop3A_228 = arith.addf %parallel_loop3A_200, %parallel_loop3A_227 : vector<16xf32>
      %parallel_loop3A_229 = arith.constant 64 : i32
      %parallel_loop3A_230 = arith.muli %parallel_loop3A_88, %parallel_loop3A_229 : i32
      %parallel_loop3A_231 = arith.constant 48 : i32
      %parallel_loop3A_232 = arith.addi %parallel_loop3A_230, %parallel_loop3A_231 : i32
      %parallel_loop3A_233 = arith.index_cast %parallel_loop3A_232 : i32 to index
      %parallel_loop3A_234 = tpu.vector_load %arg7[%parallel_loop3A_233] {strides = array<i32>} : memref<16384xf32, #tpu.memory_space<vmem>>, vector<16xf32>,
      %parallel_loop3A_235 = arith.mulf %parallel_loop3A_129, %parallel_loop3A_131 : vector<16xf32>
      %parallel_loop3A_236 = arith.subf %parallel_loop3A_134, %parallel_loop3A_129 : vector<16xf32>
      %parallel_loop3A_237 = arith.addf %parallel_loop3A_236, %parallel_loop3A_228 : vector<16xf32>
      %parallel_loop3A_238 = arith.mulf %parallel_loop3A_235, %parallel_loop3A_237 : vector<16xf32>
      %parallel_loop3A_239 = arith.addf %parallel_loop3A_211, %parallel_loop3A_238 : vector<16xf32>
      %parallel_loop3A_240 = arith.mulf %parallel_loop3A_235, %parallel_loop3A_129 : vector<16xf32>
      %parallel_loop3A_241 = arith.addf %parallel_loop3A_213, %parallel_loop3A_240 : vector<16xf32>
      %parallel_loop3A_242 = arith.addf %parallel_loop3A_214, %parallel_loop3A_235 : vector<16xf32>
      %parallel_loop3A_243 = arith.mulf %parallel_loop3A_129, %parallel_loop3A_129 : vector<16xf32>
      %parallel_loop3A_244 = arith.mulf %parallel_loop3A_243, %parallel_loop3A_234 : vector<16xf32>
      %parallel_loop3A_245 = arith.addf %parallel_loop3A_217, %parallel_loop3A_244 : vector<16xf32>
      %parallel_loop3A_246 = arith.constant 0 : i32
      %parallel_loop3A_247 = vector.broadcast %parallel_loop3A_246 : i32 to vector<16xi32>
      %parallel_loop3A_248 = arith.cmpi slt, %parallel_loop3A_90, %parallel_loop3A_247 : vector<16xi32>
      %parallel_loop3A_249 = arith.constant 16 : i32
      %parallel_loop3A_250 = vector.broadcast %parallel_loop3A_249 : i32 to vector<16xi32>
      %parallel_loop3A_251 = arith.addi %parallel_loop3A_90, %parallel_loop3A_250 : vector<16xi32>
      %parallel_loop3A_252 = arith.select %parallel_loop3A_248, %parallel_loop3A_251, %parallel_loop3A_90 : vector<16xi1>, vector<16xi32>
      %parallel_loop3A_253 = vector.shape_cast %parallel_loop3A_252 : vector<16xi32> to vector<16x1xi32>
      %parallel_loop3A_254 = vector.shape_cast %parallel_loop3A_253 : vector<16x1xi32> to vector<16xi32>
      %parallel_loop3A_255 = tpu.dynamic_gather %parallel_loop3A_134[%parallel_loop3A_254] in [0] : vector<16xf32>, vector<16xi32> -> vector<16xf32>
      %parallel_loop3A_256 = arith.addf %parallel_loop3A_228, %parallel_loop3A_255 : vector<16xf32>
      %parallel_loop3A_257 = arith.constant 4.000000e+00 : f32
      %parallel_loop3A_258 = vector.broadcast %parallel_loop3A_257 : f32 to vector<16xf32>
      %parallel_loop3A_259 = arith.mulf %parallel_loop3A_258, %parallel_loop3A_239 : vector<16xf32>
      %parallel_loop3A_260 = arith.constant 2.000000e+00 : f32
      %parallel_loop3A_261 = vector.broadcast %parallel_loop3A_260 : f32 to vector<16xf32>
      %parallel_loop3A_262 = arith.mulf %parallel_loop3A_261, %parallel_loop3A_241 : vector<16xf32>
      %parallel_loop3A_263 = arith.addf %parallel_loop3A_259, %parallel_loop3A_262 : vector<16xf32>
      %parallel_loop3A_264 = arith.constant 0.333333343 : f32
      %parallel_loop3A_265 = vector.broadcast %parallel_loop3A_264 : f32 to vector<16xf32>
      %parallel_loop3A_266 = arith.mulf %parallel_loop3A_265, %parallel_loop3A_245 : vector<16xf32>
      %parallel_loop3A_267 = arith.addf %parallel_loop3A_263, %parallel_loop3A_266 : vector<16xf32>
      %parallel_loop3A_268 = arith.constant 2.000000e+00 : f32
      %parallel_loop3A_269 = vector.broadcast %parallel_loop3A_268 : f32 to vector<16xf32>
      %parallel_loop3A_270 = arith.mulf %parallel_loop3A_269, %parallel_loop3A_256 : vector<16xf32>
      %parallel_loop3A_271 = arith.mulf %parallel_loop3A_270, %parallel_loop3A_242 : vector<16xf32>
      %parallel_loop3A_272 = arith.subf %parallel_loop3A_267, %parallel_loop3A_271 : vector<16xf32>
      %parallel_loop3A_273 = arith.constant true
      %parallel_loop3A_274 = vector.broadcast %parallel_loop3A_273 : i1 to vector<16xi1>
      %parallel_loop3A_275 = tpu.scan <sum>, %parallel_loop3A_272 masked %parallel_loop3A_274 : vector<16xf32>, vector<16xi1> -> vector<16xf32>
      %parallel_loop3A_276 = arith.constant 1.000000e-03 : f32
      %parallel_loop3A_277 = vector.broadcast %parallel_loop3A_276 : f32 to vector<16xf32>
      %parallel_loop3A_278 = arith.mulf %parallel_loop3A_275, %parallel_loop3A_277 : vector<16xf32>
      %parallel_loop3A_279 = vector.broadcast %parallel_loop3A_88 : i32 to vector<16xi32>
      tpu.vector_store_idx %arg9[%parallel_loop3A_279], %parallel_loop3A_278 masked %eq3A_62 : memref<256xf32, #tpu.memory_space<vmem>>[vector<16xi32>], vector<16xf32>, vector<16xi1>
    } {sc.loop_unroll_factor = 1 : i64, sc.parallel_access}
    %mul3A_86 = arith.constant 256 : i32
    %mul3A_87 = arith.muli %add3A, %mul3A_86 : i32
    "tpu.region"() ({
      %run_scoped3A = tpu.sem_alloc : memref<!tpu.dma_semaphore, #tpu.memory_space<semaphore_mem>>
      %dma_start3A_88 = tpu.memref_slice %arg5[%mul3A_87] : memref<8192xf32, #tpu.memory_space<hbm>> -> memref<256xf32, #tpu.memory_space<hbm>>
      %dma_start3A_89 = tpu.memref_slice %arg5[%mul3A_87] : memref<8192xf32, #tpu.memory_space<hbm>> -> memref<256xf32, #tpu.memory_space<hbm>>
      tpu.enqueue_dma source(%arg9 : memref<256xf32, #tpu.memory_space<vmem>>) target(%dma_start3A_89 : memref<256xf32, #tpu.memory_space<hbm>>) target_semaphore(%run_scoped3A : memref<!tpu.dma_semaphore, #tpu.memory_space<semaphore_mem>>)
      %dma_wait3A_90 = tpu.memref_slice %arg5[%mul3A_87] : memref<8192xf32, #tpu.memory_space<hbm>> -> memref<256xf32, #tpu.memory_space<hbm>>
      %dma_wait3A_91 = tpu.memref_slice %arg5[%mul3A_87] : memref<8192xf32, #tpu.memory_space<hbm>> -> memref<256xf32, #tpu.memory_space<hbm>>
      tpu.wait_dma2 semaphore(%run_scoped3A : memref<!tpu.dma_semaphore, #tpu.memory_space<semaphore_mem>>) src(%arg9 : memref<256xf32, #tpu.memory_space<vmem>>) dst(%dma_wait3A_91 : memref<256xf32, #tpu.memory_space<hbm>>)
      tpu.yield
    }) : () -> ()
    return
  }
}

module attributes {stable_mosaic.version = 14 : i64} {
  func.func @_rgb_opacity_tc(%arg0: memref<3x8192xf32, #tpu.memory_space<vmem>>, %arg1: memref<3x8192xf32, #tpu.memory_space<vmem>>, %arg2: memref<1x8192xf32, #tpu.memory_space<vmem>>, %arg3: memref<3x8192xf32, #tpu.memory_space<vmem>>, %arg4: memref<1x8192xf32, #tpu.memory_space<vmem>>) attributes {dimension_semantics = [], scalar_prefetch = 0 : i64, scratch_operands = 0 : i64, tpu.core_type = #tpu.core_type<tc>} {
    %get3A = arith.constant 0 : index
    %get3A_0 = arith.constant 0 : index
    %get3A_1 = vector.load %arg0[%get3A, %get3A_0] : memref<3x8192xf32, #tpu.memory_space<vmem>>, vector<3x8192xf32>
    %get3A_2 = arith.constant 0 : index
    %get3A_3 = arith.constant 0 : index
    %get3A_4 = vector.load %arg1[%get3A_2, %get3A_3] : memref<3x8192xf32, #tpu.memory_space<vmem>>, vector<3x8192xf32>
    %sub3A = arith.subf %get3A_1, %get3A_4 : vector<3x8192xf32>
    %mul3A = arith.mulf %sub3A, %sub3A : vector<3x8192xf32>
    %swap3A = arith.constant 0 : index
    %swap3A_5 = arith.constant 0 : index
    %swap3A_6 = vector.load %arg3[%swap3A, %swap3A_5] : memref<3x8192xf32, #tpu.memory_space<vmem>>, vector<3x8192xf32>
    tpu.vector_store %arg3[%swap3A, %swap3A_5], %mul3A {strides = array<i32>} : memref<3x8192xf32, #tpu.memory_space<vmem>>, vector<3x8192xf32>,
    %get3A_7 = arith.constant 0 : index
    %get3A_8 = arith.constant 0 : index
    %get3A_9 = vector.load %arg2[%get3A_7, %get3A_8] : memref<1x8192xf32, #tpu.memory_space<vmem>>, vector<1x8192xf32>
    %add3A = arith.constant 1.000000e-10 : f32
    %add3A_10 = vector.broadcast %add3A : f32 to vector<1x8192xf32>
    %add3A_11 = arith.addf %get3A_9, %add3A_10 : vector<1x8192xf32>
    %mul3A_12 = arith.constant -1.000000e-03 : f32
    %mul3A_13 = vector.broadcast %mul3A_12 : f32 to vector<1x8192xf32>
    %mul3A_14 = arith.mulf %mul3A_13, %add3A_11 : vector<1x8192xf32>
    %log3A = math.log %add3A_11 : vector<1x8192xf32>
    %mul3A_15 = arith.mulf %mul3A_14, %log3A : vector<1x8192xf32>
    %swap3A_16 = arith.constant 0 : index
    %swap3A_17 = arith.constant 0 : index
    %swap3A_18 = vector.load %arg4[%swap3A_16, %swap3A_17] : memref<1x8192xf32, #tpu.memory_space<vmem>>, vector<1x8192xf32>
    tpu.vector_store %arg4[%swap3A_16, %swap3A_17], %mul3A_15 {strides = array<i32>} : memref<1x8192xf32, #tpu.memory_space<vmem>>, vector<1x8192xf32>,
    return
  }
}

</mosaic_0001>

<sc_bundles>
// kernel: kernel.4.cloned.1.call-start
scs
__scs_entry_jumppad:
0x0: {  	(pc) =	sbr.rel $0x88, $3  }
0x1: {  	(tag) =	ssettag $0x0;
	lr =	simm.s32 $0x1  }
0x2: {  	[smem:$0x3F9B] =	sst lr;
	_ =	strace $0xD0000000  }
0x3: {  	_ = 	snop  }
0x4: {  	_ = 	snop  }
0x5: {  	_ = 	snop  }
0x6: {  	_ = 	snop  }
0x7: {  	_ = 	snop  }
__scs_overlays_trampoline_lowered:
0x8: {  	[smem:$0x3FAA] =	sst s0  }
0x9: {  	[smem:$0x3FAB] =	sst s1  }
0xa: {  	[smem:$0x3FAC] =	sst s2  }
0xb: {  	[smem:$0x3FAD] =	sst s3  }
0xc: {  	[smem:$0x3FAE] =	sst s4  }
0xd: {  	[smem:$0x3FAF] =	sst s5  }
0xe: {  	[smem:$0x3FB0] =	sst s6  }
0xf: {  	[smem:$0x3FB1] =	sst s7  }
0x10: {  	[smem:$0x3FB2] =	sst s8  }
0x11: {  	[smem:$0x3FB3] =	sst s9;
	s0 =	simm.s32 @!p0 $0x0  }
0x12: {  	s1 =	sld [smem:$0x3F99];
	s0 =	simm.s32 @p0 $0x1  }
0x13: {  	[smem:$0x3FB4] =	sst s0;
	s0 =	simm.s32 @!p1 $0x0  }
0x14: {  	s2 =	sld [smem:$0x3F98];
	s0 =	simm.s32 @p1 $0x1  }
0x15: {  	[smem:$0x3FB5] =	sst s0;
	s0 =	simm.s32 @!p2 $0x0  }
0x16: {  	s3 =	sld [smem:$0x3FDB];
	s0 =	simm.s32 @p2 $0x1  }
0x17: {  	s4 =	simm.s32 $0x1BF5;
	[smem:$0x3FB7] =	sst s0  }
0x18: {  	s0 =	sld [smem:$0x3F9A];
	_ =	swait.ge [sflag:s4], $0x0  }
0x19: {  	s7 =	sld [smem:$0x3F9B]  }
0x1a: {  	s8 =	sadd.s32 $0xFFFFE003, lr  }
0x1b: {  	s9 =	sadd.s32 $0xFFFFFEF7, lr;
	s5 =	simm.s32 $0xFFFFFFFF;
	p2 =	slt.u32 s8, $0xFFFFF086  }
0x1c: {  	p1 =	slt.u32 s9, $0xF7A;
	s5 =	simm.s32 @!p2 $0x0  }
0x1d: {  	s5 =	simm.s32 @p1 $0x1;
	p0 =	seq.s32 s7, s2  }
0x1e: {  	s7 =	smul.u32 @!p0 $0xF7A, s2;
	p2 =	seq.s32 @!p0 s5, $0x0  }
0x1f: {  	s9 =	smul.u32 $0xF7A, s1;
	s8 =	simm.s32 @!p0 $0x1BF5;
	p2 =	por !p2, p0  }
0x20: {  	[sflag:s8] =	ssyncset.s32 @!p0 $0xFFFFF086;
	s6 =	sadd.s32 @!p0 s3, s7;
	s7 =	simm.s32 @!p0 $0x108  }
0x21: {  	s3 =	sadd.s32 s3, s9;
	s6 =	sadd.s32 @!p0 $0x88, s6;
	s7 =	simm.s32 @p2 $0x1082  }
0x22: {  	[simem:s7], [sflag:s8] =	dma.local @!p0 [hbm:s6], $0xF7A  }
0x23: {  	s9 =	sor.u32 $0xD0000000, s2;
	s6 =	simm.s32 $0x108;
	_ =	swait.ge @!p0 [sflag:s8], $0x0  }
0x24: {  	s3 =	sadd.s32 $0x88, s3;
	s6 =	simm.s32 @!p1 $0x1082;
	[sflag:s4] =	ssyncset.s32 $0xFFFFF086  }
0x25: {  	[simem:s6], [sflag:s4] =	dma.local [hbm:s3], $0xF7A  }
0x26: {  	[smem:$0x3F9B] =	sst s1;
	(tag) =	ssettag s2;
	_ =	strace s9  }
0x27: {  	s1 =	sld [smem:$0x3FAB]  }
0x28: {  	s2 =	sld [smem:$0x3FAC]  }
0x29: {  	s4 =	sld [smem:$0x3FAE]  }
0x2a: {  	p0 =	seq.s32 s5, $0x0;
	s5 =	sld [smem:$0x3FAF]  }
0x2b: {  	s6 =	sld [smem:$0x3FB0]  }
0x2c: {  	s7 =	sld [smem:$0x3FB1]  }
0x2d: {  	s3 =	simm.s32 $0x108;
	s8 =	sld [smem:$0x3FB2]  }
0x2e: {  	s3 =	simm.s32 @!p0 $0x1082;
	s9 =	sld [smem:$0x3FB3]  }
0x2f: {  	lr =	sadd.s32 s0, s3;
	s0 =	sld [smem:$0x3FAA]  }
0x30: {  	s3 =	sld [smem:$0x3FAD]  }
0x31: {  	[smem:$0x3FB6] =	sst s10  }
0x32: {  	s10 =	sld [smem:$0x3FB4];
	_ =	sdelay $0x3  }
0x33: {  	p0 =	seq.s32 s10, $0x1;
	s10 =	sld [smem:$0x3FB6];
	_ =	sdelay $0x3  }
0x34: {  	[smem:$0x3FB6] =	sst s10  }
0x35: {  	s10 =	sld [smem:$0x3FB5];
	_ =	sdelay $0x3  }
0x36: {  	p1 =	seq.s32 s10, $0x1;
	s10 =	sld [smem:$0x3FB6];
	_ =	sdelay $0x3  }
0x37: {  	[smem:$0x3FB6] =	sst s10  }
0x38: {  	s10 =	sld [smem:$0x3FB7]  }
0x39: {  	_ = 	snop;
	(pc) =	sbr.ind lr, $3  }
0x3a: {  	_ = 	snop  }
0x3b: {  	_ = 	snop  }
0x3c: {  	p2 =	seq.s32 s10, $0x1;
	s10 =	sld [smem:$0x3FB6]  }
0x3d: {  	_ =	shalt  }
0x3e: {  	_ =	shalt  }
0x3f: {  	_ =	shalt  }
0x40: {  	_ =	shalt  }
0x41: {  	_ =	shalt  }
0x42: {  	_ =	shalt  }
0x43: {  	_ =	shalt  }
0x44: {  	_ =	shalt  }
0x45: {  	_ =	shalt  }
0x46: {  	_ =	shalt  }
0x47: {  	_ =	shalt  }
0x48: {  	_ =	shalt  }
0x49: {  	_ =	shalt  }
0x4a: {  	_ =	shalt  }
0x4b: {  	_ =	shalt  }
0x4c: {  	_ =	shalt  }
0x4d: {  	_ =	shalt  }
0x4e: {  	_ =	shalt  }
0x4f: {  	_ =	shalt  }
0x50: {  	_ =	shalt  }
0x51: {  	_ =	shalt  }
0x52: {  	_ =	shalt  }
0x53: {  	_ =	shalt  }
0x54: {  	_ =	shalt  }
0x55: {  	_ =	shalt  }
0x56: {  	_ =	shalt  }
0x57: {  	_ =	shalt  }
0x58: {  	_ =	shalt  }
0x59: {  	_ =	shalt  }
0x5a: {  	_ =	shalt  }
0x5b: {  	_ =	shalt  }
0x5c: {  	_ =	shalt  }
0x5d: {  	_ =	shalt  }
0x5e: {  	_ =	shalt  }
0x5f: {  	_ =	shalt  }
0x60: {  	_ =	shalt  }
0x61: {  	_ =	shalt  }
0x62: {  	_ =	shalt  }
0x63: {  	_ =	shalt  }
0x64: {  	_ =	shalt  }
0x65: {  	_ =	shalt  }
0x66: {  	_ =	shalt  }
0x67: {  	_ =	shalt  }
0x68: {  	_ =	shalt  }
0x69: {  	_ =	shalt  }
0x6a: {  	_ =	shalt  }
0x6b: {  	_ =	shalt  }
0x6c: {  	_ =	shalt  }
0x6d: {  	_ =	shalt  }
0x6e: {  	_ =	shalt  }
0x6f: {  	_ =	shalt  }
0x70: {  	_ =	shalt  }
0x71: {  	_ =	shalt  }
0x72: {  	_ =	shalt  }
0x73: {  	_ =	shalt  }
0x74: {  	_ =	shalt  }
0x75: {  	_ =	shalt  }
0x76: {  	_ =	shalt  }
0x77: {  	_ =	shalt  }
0x78: {  	_ =	shalt  }
0x79: {  	_ =	shalt  }
0x7a: {  	_ =	shalt  }
0x7b: {  	_ =	shalt  }
0x7c: {  	_ =	shalt  }
0x7d: {  	_ =	shalt  }
0x7e: {  	_ =	shalt  }
0x7f: {  	_ =	shalt  }
0x80: {  	_ =	shalt  }
0x81: {  	_ =	shalt  }
0x82: {  	_ =	shalt  }
0x83: {  	_ =	shalt  }
0x84: {  	_ =	shalt  }
0x85: {  	_ =	shalt  }
0x86: {  	_ =	shalt  }
0x87: {  	_ =	shalt  }
.Lfunc_end0:
.L_simem_size_0:
called_computation_lowered:
.L_overlay_start_0:
0x88: {  	s2 =	sld [smem:$0x3FD9]  }
0x89: {  	s3 =	sld [smem:$0x3FFE];
	_ =	sdelay $0x1  }
0x8a: {  	s1 =	srdreg.scid  }
0x8b: {  	s0 =	sand.u32 $0x1, s1  }
0x8c: {  	s15 =	sshll.u32 s0, $0xA;
	s2 =	sadd.s32 s3, s2  }
0x8d: {  	s2 =	sadd.s32 s2, s15  }
0x8e: {  	[smem:$0x3FC2] =	sst s2  }
0x8f: {  	_ = 	snop  }
0x90: {  	s2 =	sld [smem:$0x3FD0]  }
0x91: {  	s16 =	sld [smem:$0x3FC6]  }
0x92: {  	s4 =	sld [smem:$0x3FC5]  }
0x93: {  	s6 =	simm.s32 $0xA;
	s7 =	simm.s32 $0x10;
	s5 =	sld [smem:$0x3FC4]  }
0x94: {  	[smem:s7], [sflag:s6] =	dma.local [hbm:s2], $0x1  }
0x95: {  	_ =	swait.eq [sflag:s6], $0x1  }
0x96: {  	[sflag:s6] =	ssyncset.done $0x0  }
0x97: {  	[sflag:s6] =	ssyncadd.s32 $0xFFFFFFFF  }
0x98: {  	s17 =	sld [smem:$0x12];
	(tm) =	ssettm $0x1  }
0x99: {  	s18 =	sld [smem:$0x3FFB];
	_ =	sdelay $0x3  }
0x9a: {  	_ =	strace s18  }
0x9b: {  	s6 =	sld [smem:$0x3FFC];
	_ =	sdelay $0x3  }
0x9c: {  	_ =	strace s6  }
0x9d: {  	s6 =	sld [smem:$0x3FFD];
	_ =	sdelay $0x3  }
0x9e: {  	_ =	strace s6  }
0x9f: {  	_ =	strace $0x8FFFFFFF  }
0xa0: {  	s19 =	sld [smem:$0x3FDB];
	_ =	sdelay $0x1  }
0xa1: {  	s20 =	simm.s32 $_scs_section_size  }
0xa2: {  	s8 =	simm.s32 $_size__tile_overlayer_lowered;
	s9 =	simm.s32 $_tile_overlayer_lowered  }
0xa3: {  	s23 =	simm.s32 $0x1BFF;
	s22 =	sshll.u32 s9, $0x1;
	s6 =	sadd.s32 s20, s19  }
0xa4: {  	s10 =	simm.s32 $0x0;
	s21 =	sshll.u32 s8, $0x1;
	s8 =	sadd.s32 s22, s6  }
0xa5: {  	[timem:s10], [sflag:s23] =	dma.local [hbm:s8], s21  }
0xa6: {  	_ =	swait.ge [sflag:s23], s21  }
0xa7: {  	s7 =	ssub.s32 $0x0, s21;
	[sflag:s23] =	ssyncset.done $0x0  }
0xa8: {  	[sflag:s23] =	ssyncadd.s32 s7;
	_ =	sdelay $0x1  }
0xa9: {  	s24 =	simm.s32 $0x1B8B  }
0xaa: {  	_ =	swait.ge [sflag:s24], $0x1  }
0xab: {  	[sflag:s24] =	ssyncset.done $0x0  }
0xac: {  	s25 =	simm.s32 $0x1B8E;
	[sflag:s24] =	ssyncadd.s32 $0xFFFFFFFF  }
0xad: {  	s26 =	simm.s32 $execute0_lowered;
	[smem:$0x3FD2] =	sst s25  }
0xae: {  	s7 =	sshll.u32 s26, $0x1;
	_ =	strace $0x80000046;
	[dreg:$0x1] =	wrdreg $0xFFFFFFFF  }
0xaf: {  	s28 =	simm.s32 $_size_execute0_lowered;
	s6 =	sadd.s32 s6, s7;
	[dreg:$0x0] =	wrdreg $0x0  }
0xb0: {  	s7 =	sshll.u32 s28, $0x1;
	[dreg:$0x2] =	wrdreg s6  }
0xb1: {  	[dreg:$0x3] =	wrdreg s7  }
0xb2: {  	[dreg:$0x4] =	wrdreg $0xC0  }
0xb3: {  	_ =	task [dreg:s10], $0x5FFFF  }
0xb4: {  	[dreg:$0x1] =	wrdreg $0xFFFFFFFF  }
0xb5: {  	[dreg:$0x0] =	wrdreg $0x60  }
0xb6: {  	[dreg:$0x2] =	wrdreg s16  }
0xb7: {  	[dreg:$0x3] =	wrdreg s4  }
0xb8: {  	[dreg:$0x4] =	wrdreg s5  }
0xb9: {  	[dreg:$0x5] =	wrdreg s17  }
0xba: {  	[dreg:$0x6] =	wrdreg $0x9  }
0xbb: {  	_ =	task.clear_ibuf [dreg:s10], $0x7FFFF;
	_ =	strace $0x90000046  }
0xbc: {  	s29 =	simm.s32 $0x9;
	_ =	strace $0x80000048  }
0xbd: {  	_ =	swait.ge [sflag:s29], $0x1  }
0xbe: {  	[sflag:s29] =	ssyncadd.s32 $0xFFFFFFFF  }
0xbf: {  	_ =	strace $0x90000048  }
0xc0: {  	_ =	sfence  }
0xc1: {  	s30 =	sld [smem:$0x0];
	_ =	sdelay $0x2  }
0xc2: {  	s31 =	sshll.u32 s1, $0xD;
	s1 =	sshrl.u32 s1, $0x2  }
0xc3: {  	s3 =	sand.u32 $0x4000, s31;
	s1 =	sadd.s32 s1, s30  }
0xc4: {  	s0 =	sor.u32 s3, s0;
	s1 =	sshll.u32 s1, $0x11  }
0xc5: {  	s0 =	sor.u32 s1, s0  }
0xc6: {  	s0 =	sadd.s32 $0x8F2B, s0  }
0xc7: {  	[sflag:s0] =	ssyncadd.remote.s32 $0x1  }
0xc8: {  	_ =	sfence.sel $0xFFFF  }
0xc9: {  	[dreg:$0x0] =	wrdreg $0xFFFFFFFF;
	(pc) =	sbr.abs _section_cstart, $3  }
0xca: {  	[dreg:$0x1] =	wrdreg $0xFFFFFFFF  }
0xcb: {  	_ =	task.clear_ibuf [dreg:s10], $0x2FFFF;
	_ =	strace $0x9FFFFFFF  }
0xcc: {  	(tm) =	ssettm $0x7FFFFFFF  }
0xcd: {  	_ =	shalt  }
tec
execute0_lowered:
.L_overlay_start_1:
0x0: {  	(tag) =	ssettag $0x1  }
0x1: {  	s6 =	rddreg [dreg:$0x0]  }
0x2: {  	s7 =	rddreg [dreg:$0x1]  }
0x3: {  	s8 =	rddreg [dreg:$0x2]  }
0x4: {  	s9 =	rddreg [dreg:$0x3]  }
0x5: {  	s0 =	rddreg [dreg:$0x4]  }
0x6: {  	s3 =	srdreg.scid;
	s1 =	stileid.u32  }
0x7: {  	s2 =	simm.s32 $0x0;
	s14 =	simm.s32 $0x6000;
	s15 =	simm.s32 $0xA000  }
0x8: {  	s16 =	simm.s32 $0x1;
	s17 =	simm.s32 $0xC000;
	s18 =	simm.s32 $0x2  }
0x9: {  	s19 =	simm.s32 $0x3;
	s20 =	simm.s32 $0x0;
	s3 =	sand.u32 $0x1, s3  }
0xa: {  	s4 =	sshll.u32 s1, $0x1;
	[smem:$0x7FF] =	sst s2;
	s5 =	ssub.s32 $0x2, s3  }
0xb: {  	s10 =	sor.u32 s3, s4;
	_ =	strace $0x80000047;
	s31 =	sshrl.u32 s5, $0x1  }
0xc: {  	s11 =	sshll.u32 s10, $0xB;
	s10 =	sshll.u32 s10, $0x5;
	s12 =	ssub.s32 s5, s31  }
0xd: {  	s3 =	sadd.s32 s6, s11;
	s13 =	sor.u32 $0x400, s11;
	s4 =	sadd.s32 s7, s11  }
0xe: {  	s5 =	sadd.s32 s8, s11;
	s9 =	sadd.s32 s9, s10;
	s11 =	simm.s32 $0x4000  }
0xf: {  	s6 =	sadd.s32 s6, s13;
	s7 =	sadd.s32 s7, s13;
	s8 =	sadd.s32 s8, s13  }
0x10: {  	v0 =	vimm.s32 $0xF;
	vm0 =	vcmask $0x3F3C;
	s10 =	smax.u32 s12, $0x1;
	s12 =	simm.s32 $0x8000;
	s13 =	simm.s32 $0x2000  }
.LBB2_1:
0x11: {  	[tilespmem:s2], [sflag:$0x1] =	stream.linear.gather [hbm4b:s3+s2], $0x2000, $0x38;
	[tilespmem:$0xC100] =	vst v63  }
0x12: {  	_ = 	snop  }
0x13: {  	[tilespmem:s11], [sflag:$0x1] =	stream.linear.gather [hbm4b:s4+s2], $0x2000, $0x38;
	[tilespmem:$0xC100] =	vst v63  }
0x14: {  	_ = 	snop  }
0x15: {  	[tilespmem:s12], [sflag:$0x1] =	stream.linear.gather [hbm4b:s5+s2], $0x2000, $0x38;
	[tilespmem:$0xC100] =	vst v63  }
0x16: {  	_ = 	snop  }
0x17: {  	[tilespmem:s13], [sflag:$0x2] =	stream.linear.gather [hbm4b:s6+s2], $0x2000, $0x38;
	[tilespmem:$0xC100] =	vst v63  }
0x18: {  	_ = 	snop  }
0x19: {  	[tilespmem:s14], [sflag:$0x2] =	stream.linear.gather [hbm4b:s7+s2], $0x2000, $0x38;
	[tilespmem:$0xC100] =	vst v63  }
0x1a: {  	_ = 	snop  }
0x1b: {  	[tilespmem:s15], [sflag:$0x2] =	stream.linear.gather [hbm4b:s8+s2], $0x2000, $0x38;
	[tilespmem:$0xC100] =	vst v63  }
0x1c: {  	_ =	swait.ge [sflag:s16], $0x2000  }
0x1d: {  	[sflag:s16] =	ssyncset.done $0x0  }
0x1e: {  	[sflag:s16] =	ssyncadd.s32 $0xFFFFE000  }
0x1f: {  	_ =	swait.ge [sflag:s16], $0x2000  }
0x20: {  	[sflag:s16] =	ssyncset.done $0x0  }
0x21: {  	[sflag:s16] =	ssyncadd.s32 $0xFFFFE000  }
0x22: {  	_ =	swait.ge [sflag:s16], $0x2000  }
0x23: {  	[sflag:s16] =	ssyncset.done $0x0  }
0x24: {  	s21 =	simm.s32 $0x20;
	[sflag:s16] =	ssyncadd.s32 $0xFFFFE000  }
0x25: {  	v1 =	vld [tilespmem:s21+$0x0]  }
0x26: {  	v2 =	vld [tilespmem:s21+$0xFFFFFFE0];
	_ =	sdelay $0x2  }
0x27: {  	v3 =	vld [tilespmem:s21+$0xFFFFFFF0]  }
0x28: {  	(xrf2) =	vadd.scan.msk.f32 $0xffff, v1  }
0x29: {  	(xrf2) =	vadd.scan.msk.f32 $0xffff, v2;
	_ =	sdelay $0x2  }
0x2a: {  	s30 =	simm.s32 $0x8020;
	v5 =	vld [tilespmem:s21+$0x10];
	(xrf2) =	vadd.scan.msk.f32 $0xffff, v3  }
0x2b: {  	v4 =	vld [tilespmem:s30+$0x10]  }
0x2c: {  	v7 =	vld [tilespmem:s30+$0xFFFFFFE0]  }
0x2d: {  	v6 =	vld [tilespmem:s30+$0x0]  }
0x2e: {  	s22 =	simm.s32 $0x4020  }
0x2f: {  	v9 =	vld [tilespmem:s22+$0xFFFFFFF0];
	(xrf2) =	vadd.scan.msk.f32 $0xffff, v5  }
0x30: {  	v10 =	vmul.f32 v5, v5;
	v13 =	vmul.f32 v4, v5;
	v4, _, _ =	vpop (xrf2)  }
0x31: {  	v11 =	vmul.f32 v1, v1;
	v7 =	vmul.f32 v7, v2;
	v15, _, _ =	vpop (xrf2)  }
0x32: {  	v8 =	vld [tilespmem:s30+$0xFFFFFFF0];
	v14 =	vmul.f32 v3, v3;
	v6 =	vmul.f32 v6, v1;
	v17 =	vsub.f32 v15, v2  }
0x33: {  	v12 =	vld [tilespmem:s22+$0xFFFFFFE0];
	v16 =	vmul.f32 v2, v2;
	v18 =	vadd.f32 $0.0e+00, v7;
	v15 =	vperm.xlane v15, v0  }
0x34: {  	v9 =	vmul.f32 v9, v14;
	v14 =	vadd.f32 $0.0e+00, v17;
	v17 =	vmul.f32 v7, v2;
	v2, _, _ =	vpop (xrf2)  }
0x35: {  	s31 =	simm.s32 $0x60;
	v15 =	vadd.f32 $0.0e+00, v15;
	v19 =	vsub.f32 v2, v3;
	v20 =	vperm.xlane v2, v0  }
0x36: {  	v21 =	vld [tilespmem:s31+$0xFFFFFFE0];
	v7 =	vmul.f32 v14, v7;
	v14 =	vadd.f32 $0.0e+00, v17;
	v17 =	vsub.f32 v4, v1  }
0x37: {  	v8 =	vmul.f32 v8, v3;
	v2 =	vld [tilespmem:s31+$0x0];
	v19 =	vadd.f32 v15, v19;
	v15 =	vadd.f32 v20, v15  }
0x38: {  	v12 =	vmul.f32 v12, v16;
	v16 =	vld [tilespmem:s22+$0x0];
	v4 =	vperm.xlane v4, v0  }
0x39: {  	v23 =	vld [tilespmem:s22+$0x10];
	v3 =	vmul.f32 v8, v3;
	v7 =	vadd.f32 $0.0e+00, v7;
	v20, _, _ =	vpop (xrf2);
	v17 =	vadd.f32 v15, v17  }
0x3a: {  	v24 =	vld [tilespmem:s31+$0xFFFFFFF0];
	v19 =	vmul.f32 v19, v8;
	v15 =	vadd.f32 v4, v15;
	v22 =	vsub.f32 v20, v5  }
0x3b: {  	v12 =	vadd.f32 $0.0e+00, v12;
	v1 =	vmul.f32 v6, v1;
	v3 =	vadd.f32 v3, v14  }
0x3c: {  	(xrf2) =	vadd.scan.msk.f32 $0xffff, v2;
	v7 =	vadd.f32 v19, v7;
	v14 =	vmul.f32 v17, v6;
	v17 =	vadd.f32 v15, v22  }
0x3d: {  	s23 =	simm.s32 $0x8060;
	v9 =	vadd.f32 v9, v12;
	v11 =	vmul.f32 v16, v11;
	v1 =	vadd.f32 v1, v3;
	(xrf2) =	vadd.scan.msk.f32 $0xffff, v21  }
0x3e: {  	v12 =	vld [tilespmem:s23+$0x10];
	v3 =	vmul.f32 v13, v5;
	v5 =	vadd.f32 v14, v7;
	v7 =	vmul.f32 v17, v13  }
0x3f: {  	v10 =	vmul.f32 v23, v10;
	v9 =	vadd.f32 v11, v9;
	v4 =	vld [tilespmem:s31+$0x10];
	v8 =	vadd.f32 v8, v18;
	(xrf2) =	vadd.scan.msk.f32 $0xffff, v24  }
0x40: {  	v11 =	vld [tilespmem:s23+$0x0];
	v1 =	vadd.f32 v3, v1;
	v3 =	vadd.f32 v7, v5;
	v7 =	vperm.xlane v20, v0  }
0x41: {  	v6 =	vadd.f32 v6, v8;
	v8 =	vadd.f32 v10, v9;
	v9 =	vld [tilespmem:s23+$0xFFFFFFE0]  }
0x42: {  	s24 =	simm.s32 $0x4060;
	v14 =	vld [tilespmem:s23+$0xFFFFFFF0];
	v7 =	vadd.f32 v7, v15  }
0x43: {  	v16 =	vmul.f32 v2, v2;
	v1 =	vadd.f32 v1, v1;
	v10 =	vmul.f32 $4.000000000e+00, v3;
	v15 =	vld [tilespmem:s24+$0x0]  }
0x44: {  	v19 =	vmul.f32 v21, v21;
	v6 =	vadd.f32 v13, v6;
	(xrf2) =	vadd.scan.msk.f32 $0xffff, v4;
	v13 =	vld [tilespmem:s24+$0xFFFFFFE0];
	v7 =	vadd.f32 v7, v7  }
0x45: {  	v3 =	vmul.f32 v12, v4;
	v12 =	vld [tilespmem:s24+$0xFFFFFFF0];
	v1 =	vadd.f32 v10, v1;
	v10 =	vmul.f32 $3.333333430e-01, v8  }
0x46: {  	v8 =	vmul.f32 v11, v2;
	v18, _, _ =	vpop (xrf2);
	v6 =	vmul.f32 v7, v6  }
0x47: {  	v11 =	vadd.f32 v1, v10;
	v7 =	vmul.f32 v9, v21;
	v9 =	vmul.f32 v14, v24;
	v14, _, _ =	vpop (xrf2)  }
0x48: {  	v17 =	vmul.f32 v24, v24;
	v20 =	vsub.f32 v14, v21;
	v10 =	vmul.f32 v15, v16  }
0x49: {  	v22 =	vsub.f32 v11, v6;
	v6 =	vperm.xlane v14, v0;
	v14 =	vmul.f32 v13, v19;
	v13, _, _ =	vpop (xrf2)  }
0x4a: {  	s25 =	simm.s32 $0xA0;
	v12 =	vmul.f32 v12, v17;
	v19 =	vsub.f32 v13, v24;
	v13 =	vperm.xlane v13, v0  }
0x4b: {  	v16 =	vmul.f32 v7, v21;
	v15 =	vadd.f32 $0.0e+00, v20;
	v17 =	vadd.f32 $0.0e+00, v6;
	v6 =	vld [tilespmem:s25+$0x0];
	(xrf2) =	vadd.scan.msk.f32 $0xffff, v22  }
0x4c: {  	v5 =	vmul.f32 v4, v4;
	v1 =	vmov s2;
	v11 =	vadd.f32 $0.0e+00, v7  }
0x4d: {  	v23 =	vmul.f32 v15, v7;
	v15 =	vadd.f32 $0.0e+00, v16;
	v16 =	vsub.f32 v18, v2  }
0x4e: {  	v21 =	vperm.xlane v18, v0;
	v7 =	vld [tilespmem:s25+$0xFFFFFFE0];
	v20 =	vadd.f32 v17, v19;
	v19 =	vadd.f32 v13, v17;
	v13, _, _ =	vpop (xrf2)  }
0x4f: {  	s26 =	simm.s32 $0x3;
	s21 =	simm.s32 $0x1;
	s22 =	simm.s32 $0x2;
	v22 =	vmul.f32 v9, v24;
	v17 =	vadd.f32 $0.0e+00, v23;
	v18 =	vsub.f32 v13, v4  }
.LBB2_2:
0x50: {  	p0 =	sne.s32 s26, $0x7F;
	(xrf2) =	vadd.scan.msk.f32 $0xffff, v6;
	v20 =	vmul.f32 v20, v9;
	v16 =	vadd.f32 v19, v16;
	v19 =	vadd.f32 v21, v19;
	v21 =	vld [tilespmem:s24+$0x10]  }
0x51: {  	v14 =	vadd.f32 $0.0e+00, v14;
	v23 =	vld [tilespmem:s25+$0xFFFFFFF0];
	v15 =	vadd.f32 v22, v15;
	v22 =	vmul.f32 v8, v2;
	v2 =	vmovc v6  }
0x52: {  	v24 =	vld [tilespmem:s25+$0x10];
	v17 =	vadd.f32 v20, v17;
	v16 =	vmul.f32 v16, v8;
	v18 =	vadd.f32 v19, v18  }
0x53: {  	v4 =	vmul.f32 v3, v4;
	s23 =	sadd.s32 $0x40, s23;
	v12 =	vadd.f32 v12, v14;
	(xrf2) =	vadd.scan.msk.f32 $0xffff, v7;
	v14 =	vadd.f32 v22, v15  }
0x54: {  	v9 =	vadd.f32 v9, v11;
	v15 =	vld [tilespmem:s23+$0x10];
	v11 =	vadd.f32 v16, v17;
	v16 =	vmul.f32 v18, v3  }
0x55: {  	v10 =	vadd.f32 v10, v12;
	v12 =	vadd.f32 v4, v14;
	v18 =	vmul.f32 v21, v5;
	v5, _, _ =	vpop (xrf2)  }
0x56: {  	v13 =	vperm.xlane v13, v0;
	v14 =	vld [tilespmem:s23+$0x0];
	(xrf2) =	vadd.scan.msk.f32 $0xffff, v23;
	v11 =	vadd.f32 v16, v11;
	v16 =	vmul.f32 $1.000000050e-03, v5  }
0x57: {  	v8 =	vadd.f32 v8, v9;
	v17 =	vld [tilespmem:s23+$0xFFFFFFF0];
	v5 =	vmul.f32 v24, v24;
	v9 =	vadd.f32 v18, v10;
	v4 =	vmovc v24  }
0x58: {  	s24 =	sadd.s32 $0x40, s24;
	v13 =	vadd.f32 v13, v19;
	v12 =	vadd.f32 v12, v12;
	v10 =	vld [tilespmem:s23+$0xFFFFFFE0];
	v11 =	vmul.f32 $4.000000000e+00, v11;
	[tilespmem:v1+s17+$0x0] =	vst.idx.msk vm0, v16  }
0x59: {  	v6 =	vmul.f32 v6, v2;
	v1 =	vadd.f32 v3, v8;
	v16 =	vld [tilespmem:s24+$0x0];
	(xrf2) =	vadd.scan.msk.f32 $0xffff, v4;
	v3 =	vmul.f32 v15, v4  }
0x5a: {  	v9 =	vmul.f32 $3.333333430e-01, v9;
	v15 =	vld [tilespmem:s24+$0xFFFFFFF0];
	v18, _, _ =	vpop (xrf2);
	v11 =	vadd.f32 v11, v12;
	v12 =	vadd.f32 v13, v13  }
0x5b: {  	v19 =	vmul.f32 v23, v23;
	v13 =	vld [tilespmem:s24+$0xFFFFFFE0];
	v8 =	vmul.f32 v14, v2  }
0x5c: {  	v14 =	vmul.f32 v7, v7;
	v11 =	vadd.f32 v11, v9;
	v12 =	vmul.f32 v12, v1  }
0x5d: {  	v9 =	vmul.f32 v17, v23;
	v1 =	vmov s21;
	s21 =	smov.u32 s22;
	s22 =	smov.u32 s26;
	v20 =	vmul.f32 v10, v7;
	v17, _, _ =	vpop (xrf2)  }
0x5e: {  	v21 =	vsub.f32 v17, v7;
	v10 =	vmul.f32 v16, v6;
	v16 =	vsub.f32 v11, v12  }
0x5f: {  	s25 =	sadd.s32 $0x40, s25;
	v17 =	vperm.xlane v17, v0;
	v11 =	vadd.f32 $0.0e+00, v20;
	v12 =	vmul.f32 v15, v19  }
.Ltmp0:
0x60: {  	v7 =	vmul.f32 v20, v7;
	v6 =	vld [tilespmem:s25+$0x0];
	v15 =	vadd.f32 $0.0e+00, v21;
	v14 =	vmul.f32 v13, v14;
	v13, _, _ =	vpop (xrf2);
	(xrf2) =	vadd.scan.msk.f32 $0xffff, v16;
	(pc) =	sbr.rel @p0 .LBB2_2-.Ltmp0, $4  }
0x61: {  	v17 =	vadd.f32 $0.0e+00, v17;
	v19 =	vsub.f32 v13, v23;
	v24 =	vperm.xlane v13, v0  }
0x62: {  	v16 =	vsub.f32 v18, v2;
	v22 =	vmul.f32 v15, v20;
	v15 =	vadd.f32 $0.0e+00, v7  }
0x63: {  	v21 =	vperm.xlane v18, v0;
	v7 =	vld [tilespmem:s25+$0xFFFFFFE0];
	v20 =	vadd.f32 v17, v19;
	v19 =	vadd.f32 v24, v17;
	v13, _, _ =	vpop (xrf2)  }
0x64: {  	s26 =	sadd.s32 $0x1, s26;
	v17 =	vadd.f32 $0.0e+00, v22;
	v22 =	vmul.f32 v9, v23;
	v18 =	vsub.f32 v13, v4  }
0x65: {  	_ =	sdelay $0x1  }
0x66: {  	(xrf2) =	vadd.scan.msk.f32 $0xffff, v6  }
0x67: {  	v23 =	vld [tilespmem:s25+$0xFFFFFFF0];
	(xrf2) =	vadd.scan.msk.f32 $0xffff, v7  }
0x68: {  	v20 =	vmul.f32 v20, v9;
	v16 =	vadd.f32 v19, v16;
	v19 =	vadd.f32 v21, v19  }
0x69: {  	v2 =	vmul.f32 v8, v2;
	v15 =	vadd.f32 v22, v15  }
0x6a: {  	v21 =	vld [tilespmem:s24+$0x10];
	v17 =	vadd.f32 v20, v17;
	v16 =	vmul.f32 v16, v8;
	v18 =	vadd.f32 v19, v18  }
0x6b: {  	v14 =	vadd.f32 $0.0e+00, v14;
	s23 =	sadd.s32 $0x40, s23;
	v4 =	vmul.f32 v3, v4;
	v9 =	vadd.f32 v9, v11  }
0x6c: {  	v11 =	vld [tilespmem:s23+$0x0];
	v2 =	vadd.f32 v2, v15;
	v15 =	vadd.f32 v16, v17;
	v16 =	vmul.f32 v18, v3;
	(xrf2) =	vadd.scan.msk.f32 $0xffff, v23  }
0x6d: {  	v20 =	vld [tilespmem:s25+$0x10];
	v12 =	vadd.f32 v12, v14  }
0x6e: {  	v13 =	vperm.xlane v13, v0;
	v14 =	vld [tilespmem:s23+$0x10];
	s25 =	sadd.s32 $0x40, s24;
	v8 =	vadd.f32 v8, v9  }
0x6f: {  	v9 =	vld [tilespmem:s25+$0x0];
	v10 =	vadd.f32 v10, v12;
	v5 =	vmul.f32 v21, v5;
	v2 =	vadd.f32 v4, v2;
	v4, _, _ =	vpop (xrf2)  }
0x70: {  	v24 =	vld [tilespmem:s25+$0xFFFFFFE0];
	v12 =	vadd.f32 v16, v15;
	v16, _, _ =	vpop (xrf2)  }
0x71: {  	v18 =	vmul.f32 v6, v6;
	v15 =	vld [tilespmem:s23+$0xFFFFFFE0];
	v5 =	vadd.f32 v5, v10;
	v10 =	vadd.f32 v13, v19;
	v19, _, _ =	vpop (xrf2)  }
0x72: {  	v3 =	vadd.f32 v3, v8;
	v8 =	vmul.f32 v7, v7;
	(xrf2) =	vadd.scan.msk.f32 $0xffff, v20;
	v13 =	vld [tilespmem:s25+$0xFFFFFFF0];
	v22 =	vsub.f32 v19, v7  }
0x73: {  	v17 =	vld [tilespmem:s23+$0xFFFFFFF0];
	v21 =	vmul.f32 v23, v23;
	v11 =	vmul.f32 v11, v6  }
0x74: {  	v14 =	vmul.f32 v14, v20;
	v12 =	vmul.f32 $4.000000000e+00, v12  }
0x75: {  	v2 =	vadd.f32 v2, v2;
	v9 =	vmul.f32 v9, v18;
	v19 =	vperm.xlane v19, v0  }
0x76: {  	v8 =	vmul.f32 v24, v8;
	v15 =	vmul.f32 v15, v7;
	v18 =	vadd.f32 $0.0e+00, v22;
	v22, _, _ =	vpop (xrf2)  }
0x77: {  	v13 =	vmul.f32 v13, v21;
	v19 =	vadd.f32 $0.0e+00, v19;
	v21 =	vsub.f32 v22, v23  }
0x78: {  	v2 =	vadd.f32 v12, v2;
	v12 =	vmul.f32 v17, v23;
	v17 =	vperm.xlane v22, v0  }
0x79: {  	v8 =	vadd.f32 $0.0e+00, v8;
	v7 =	vmul.f32 v15, v7;
	v21 =	vadd.f32 v19, v21  }
0x7a: {  	v18 =	vmul.f32 v18, v15;
	v17 =	vadd.f32 v17, v19;
	v19 =	vsub.f32 v16, v6  }
0x7b: {  	v8 =	vadd.f32 v13, v8;
	v7 =	vadd.f32 $0.0e+00, v7;
	v16 =	vperm.xlane v16, v0  }
0x7c: {  	v22 =	vmul.f32 v12, v23;
	v23, _, _ =	vpop (xrf2);
	v18 =	vadd.f32 $0.0e+00, v18;
	v19 =	vadd.f32 v17, v19  }
0x7d: {  	v16 =	vadd.f32 v16, v17;
	v17 =	vsub.f32 v23, v20;
	v21 =	vmul.f32 v21, v12  }
0x7e: {  	v8 =	vadd.f32 v9, v8;
	v7 =	vadd.f32 v22, v7;
	v22 =	vld [tilespmem:s25+$0x10];
	v6 =	vmul.f32 v11, v6  }
0x7f: {  	v18 =	vadd.f32 v21, v18;
	v19 =	vmul.f32 v19, v11;
	v17 =	vadd.f32 v16, v17  }
0x80: {  	v15 =	vadd.f32 $0.0e+00, v15;
	v6 =	vadd.f32 v6, v7;
	v7 =	vmul.f32 v14, v20  }
0x81: {  	v21 =	vmul.f32 v20, v20;
	v13 =	vadd.f32 v19, v18;
	v17 =	vmul.f32 v17, v14  }
0x82: {  	v12 =	vadd.f32 v12, v15;
	v6 =	vadd.f32 v7, v6  }
0x83: {  	v9 =	vmul.f32 v22, v21;
	v7 =	vadd.f32 v17, v13;
	v13 =	vperm.xlane v23, v0  }
0x84: {  	v11 =	vadd.f32 v11, v12;
	v6 =	vadd.f32 v6, v6  }
0x85: {  	v8 =	vadd.f32 v9, v8;
	v9 =	vadd.f32 v13, v16;
	v7 =	vmul.f32 $4.000000000e+00, v7  }
0x86: {  	v5 =	vmul.f32 $3.333333430e-01, v5;
	v10 =	vadd.f32 v10, v10;
	v11 =	vadd.f32 v14, v11  }
0x87: {  	v6 =	vadd.f32 v7, v6;
	v7 =	vmul.f32 $3.333333430e-01, v8;
	v8 =	vadd.f32 v9, v9  }
0x88: {  	v3 =	vmul.f32 v10, v3;
	v2 =	vadd.f32 v2, v5  }
0x89: {  	v5 =	vadd.f32 v6, v7;
	v6 =	vmul.f32 v8, v11  }
0x8a: {  	v2 =	vsub.f32 v2, v3  }
0x8b: {  	v3 =	vsub.f32 v5, v6  }
0x8c: {  	(xrf2) =	vadd.scan.msk.f32 $0xffff, v2  }
0x8d: {  	(xrf2) =	vadd.scan.msk.f32 $0xffff, v3;
	_ =	sdelay $0x6  }
0x8e: {  	v2 =	vmov s21  }
0x8f: {  	v3 =	vmov s22  }
0x90: {  	v4 =	vmul.f32 $1.000000050e-03, v4;
	v5, _, _ =	vpop (xrf2)  }
0x91: {  	v5 =	vmul.f32 $1.000000050e-03, v5;
	v6, _, _ =	vpop (xrf2)  }
0x92: {  	[tilespmem:v1+s17+$0x0] =	vst.idx.msk vm0, v4;
	v1 =	vmul.f32 $1.000000050e-03, v6  }
0x93: {  	[tilespmem:v2+s17+$0x0] =	vst.idx.msk vm0, v5  }
0x94: {  	[tilespmem:v3+s17+$0x0] =	vst.idx.msk vm0, v1  }
0x95: {  	_ =	swait.ge [sflag:s18], $0x2000  }
0x96: {  	[sflag:s18] =	ssyncset.done $0x0  }
0x97: {  	[sflag:s18] =	ssyncadd.s32 $0xFFFFE000  }
0x98: {  	_ =	swait.ge [sflag:s18], $0x2000  }
0x99: {  	[sflag:s18] =	ssyncset.done $0x0  }
0x9a: {  	[sflag:s18] =	ssyncadd.s32 $0xFFFFE000  }
0x9b: {  	_ =	swait.ge [sflag:s18], $0x2000  }
0x9c: {  	[sflag:s18] =	ssyncset.done $0x0  }
0x9d: {  	s26 =	simm.s32 $0x2030;
	[sflag:s18] =	ssyncadd.s32 $0xFFFFE000  }
0x9e: {  	v1 =	vld [tilespmem:s26+$0xFFFFFFF0]  }
0x9f: {  	v2 =	vld [tilespmem:s26+$0xFFFFFFD0];
	_ =	sdelay $0x2  }
0xa0: {  	v3 =	vld [tilespmem:s26+$0xFFFFFFE0]  }
0xa1: {  	(xrf2) =	vadd.scan.msk.f32 $0xffff, v1  }
0xa2: {  	(xrf2) =	vadd.scan.msk.f32 $0xffff, v2;
	_ =	sdelay $0x2  }
0xa3: {  	s28 =	simm.s32 $0xA030;
	v5 =	vld [tilespmem:s26+$0x0];
	(xrf2) =	vadd.scan.msk.f32 $0xffff, v3  }
0xa4: {  	v4 =	vld [tilespmem:s28+$0x0]  }
0xa5: {  	v7 =	vld [tilespmem:s28+$0xFFFFFFD0]  }
0xa6: {  	v6 =	vld [tilespmem:s28+$0xFFFFFFF0]  }
0xa7: {  	s29 =	simm.s32 $0x6030  }
0xa8: {  	v9 =	vld [tilespmem:s29+$0xFFFFFFE0];
	(xrf2) =	vadd.scan.msk.f32 $0xffff, v5  }
0xa9: {  	v10 =	vmul.f32 v5, v5;
	v13 =	vmul.f32 v4, v5;
	v4, _, _ =	vpop (xrf2)  }
0xaa: {  	v11 =	vmul.f32 v1, v1;
	v7 =	vmul.f32 v7, v2;
	v15, _, _ =	vpop (xrf2)  }
0xab: {  	v8 =	vld [tilespmem:s28+$0xFFFFFFE0];
	v14 =	vmul.f32 v3, v3;
	v6 =	vmul.f32 v6, v1;
	v17 =	vsub.f32 v15, v2  }
0xac: {  	v12 =	vld [tilespmem:s29+$0xFFFFFFD0];
	v16 =	vmul.f32 v2, v2;
	v18 =	vadd.f32 $0.0e+00, v7;
	v15 =	vperm.xlane v15, v0  }
0xad: {  	v9 =	vmul.f32 v9, v14;
	v14 =	vadd.f32 $0.0e+00, v17;
	v17 =	vmul.f32 v7, v2;
	v2, _, _ =	vpop (xrf2)  }
0xae: {  	s30 =	simm.s32 $0x2070;
	v15 =	vadd.f32 $0.0e+00, v15;
	v19 =	vsub.f32 v2, v3;
	v20 =	vperm.xlane v2, v0  }
0xaf: {  	v21 =	vld [tilespmem:s30+$0xFFFFFFD0];
	v7 =	vmul.f32 v14, v7;
	v14 =	vadd.f32 $0.0e+00, v17;
	v17 =	vsub.f32 v4, v1  }
0xb0: {  	v8 =	vmul.f32 v8, v3;
	v2 =	vld [tilespmem:s30+$0xFFFFFFF0];
	v19 =	vadd.f32 v15, v19;
	v15 =	vadd.f32 v20, v15  }
0xb1: {  	v12 =	vmul.f32 v12, v16;
	v16 =	vld [tilespmem:s29+$0xFFFFFFF0];
	v4 =	vperm.xlane v4, v0  }
0xb2: {  	v23 =	vld [tilespmem:s29+$0x0];
	v3 =	vmul.f32 v8, v3;
	v7 =	vadd.f32 $0.0e+00, v7;
	v20, _, _ =	vpop (xrf2);
	v17 =	vadd.f32 v15, v17  }
0xb3: {  	v63 =	vld [tilespmem:s30+$0xFFFFFFE0];
	v19 =	vmul.f32 v19, v8;
	v15 =	vadd.f32 v4, v15;
	v22 =	vsub.f32 v20, v5  }
0xb4: {  	v12 =	vadd.f32 $0.0e+00, v12;
	v1 =	vmul.f32 v6, v1;
	v3 =	vadd.f32 v3, v14  }
0xb5: {  	(xrf2) =	vadd.scan.msk.f32 $0xffff, v2;
	v7 =	vadd.f32 v19, v7;
	v14 =	vmul.f32 v17, v6;
	v17 =	vadd.f32 v15, v22  }
0xb6: {  	s23 =	simm.s32 $0xA070;
	v9 =	vadd.f32 v9, v12;
	v11 =	vmul.f32 v16, v11;
	v1 =	vadd.f32 v1, v3;
	(xrf2) =	vadd.scan.msk.f32 $0xffff, v21  }
0xb7: {  	v12 =	vld [tilespmem:s23+$0x0];
	v3 =	vmul.f32 v13, v5;
	v5 =	vadd.f32 v14, v7;
	v7 =	vmul.f32 v17, v13  }
0xb8: {  	v10 =	vmul.f32 v23, v10;
	v9 =	vadd.f32 v11, v9;
	v4 =	vld [tilespmem:s30+$0x0];
	v8 =	vadd.f32 v8, v18;
	(xrf2) =	vadd.scan.msk.f32 $0xffff, v63  }
0xb9: {  	v11 =	vld [tilespmem:s23+$0xFFFFFFF0];
	v1 =	vadd.f32 v3, v1;
	v3 =	vadd.f32 v7, v5;
	v7 =	vperm.xlane v20, v0  }
0xba: {  	v6 =	vadd.f32 v6, v8;
	v8 =	vadd.f32 v10, v9;
	v9 =	vld [tilespmem:s23+$0xFFFFFFD0]  }
0xbb: {  	s24 =	simm.s32 $0x6070;
	v14 =	vld [tilespmem:s23+$0xFFFFFFE0];
	v7 =	vadd.f32 v7, v15  }
0xbc: {  	v16 =	vmul.f32 v2, v2;
	v1 =	vadd.f32 v1, v1;
	v10 =	vmul.f32 $4.000000000e+00, v3;
	v15 =	vld [tilespmem:s24+$0xFFFFFFF0]  }
0xbd: {  	v19 =	vmul.f32 v21, v21;
	v6 =	vadd.f32 v13, v6;
	(xrf2) =	vadd.scan.msk.f32 $0xffff, v4;
	v13 =	vld [tilespmem:s24+$0xFFFFFFD0];
	v7 =	vadd.f32 v7, v7  }
0xbe: {  	v3 =	vmul.f32 v12, v4;
	v12 =	vld [tilespmem:s24+$0xFFFFFFE0];
	v1 =	vadd.f32 v10, v1;
	v10 =	vmul.f32 $3.333333430e-01, v8  }
0xbf: {  	v8 =	vmul.f32 v11, v2;
	v18, _, _ =	vpop (xrf2);
	v6 =	vmul.f32 v7, v6  }
0xc0: {  	v11 =	vadd.f32 v1, v10;
	v7 =	vmul.f32 v9, v21;
	v9 =	vmul.f32 v14, v63;
	v14, _, _ =	vpop (xrf2)  }
0xc1: {  	v17 =	vmul.f32 v63, v63;
	v20 =	vsub.f32 v14, v21;
	v10 =	vmul.f32 v15, v16  }
0xc2: {  	v22 =	vsub.f32 v11, v6;
	v6 =	vperm.xlane v14, v0;
	v14 =	vmul.f32 v13, v19;
	v13, _, _ =	vpop (xrf2)  }
0xc3: {  	s25 =	simm.s32 $0x20B0;
	v12 =	vmul.f32 v12, v17;
	v19 =	vsub.f32 v13, v63;
	v13 =	vperm.xlane v13, v0  }
0xc4: {  	s31 =	simm.s32 $0x80;
	v16 =	vmul.f32 v7, v21;
	v15 =	vadd.f32 $0.0e+00, v20;
	v17 =	vadd.f32 $0.0e+00, v6;
	v6 =	vld [tilespmem:s25+$0xFFFFFFF0];
	(xrf2) =	vadd.scan.msk.f32 $0xffff, v22  }
0xc5: {  	v5 =	vmul.f32 v4, v4;
	v1 =	vmov s31;
	v11 =	vadd.f32 $0.0e+00, v7  }
0xc6: {  	v23 =	vmul.f32 v15, v7;
	v15 =	vadd.f32 $0.0e+00, v16;
	v16 =	vsub.f32 v18, v2  }
0xc7: {  	v21 =	vperm.xlane v18, v0;
	v7 =	vld [tilespmem:s25+$0xFFFFFFD0];
	v20 =	vadd.f32 v17, v19;
	v19 =	vadd.f32 v13, v17;
	v13, _, _ =	vpop (xrf2)  }
0xc8: {  	s21 =	simm.s32 $0x81;
	s22 =	simm.s32 $0x82;
	s26 =	simm.s32 $0x83;
	v22 =	vmul.f32 v9, v63;
	v17 =	vadd.f32 $0.0e+00, v23;
	v18 =	vsub.f32 v13, v4  }
.LBB2_4:
0xc9: {  	p0 =	sne.s32 s26, $0xFF;
	(xrf2) =	vadd.scan.msk.f32 $0xffff, v6;
	v20 =	vmul.f32 v20, v9;
	v16 =	vadd.f32 v19, v16;
	v19 =	vadd.f32 v21, v19;
	v21 =	vld [tilespmem:s24+$0x0]  }
0xca: {  	v14 =	vadd.f32 $0.0e+00, v14;
	v23 =	vld [tilespmem:s25+$0xFFFFFFE0];
	v15 =	vadd.f32 v22, v15;
	v22 =	vmul.f32 v8, v2;
	v2 =	vmovc v6  }
0xcb: {  	v24 =	vld [tilespmem:s25+$0x0];
	v17 =	vadd.f32 v20, v17;
	v16 =	vmul.f32 v16, v8;
	v18 =	vadd.f32 v19, v18  }
0xcc: {  	v4 =	vmul.f32 v3, v4;
	s23 =	sadd.s32 $0x40, s23;
	v12 =	vadd.f32 v12, v14;
	(xrf2) =	vadd.scan.msk.f32 $0xffff, v7;
	v14 =	vadd.f32 v22, v15  }
0xcd: {  	v9 =	vadd.f32 v9, v11;
	v15 =	vld [tilespmem:s23+$0x0];
	v11 =	vadd.f32 v16, v17;
	v16 =	vmul.f32 v18, v3  }
0xce: {  	v10 =	vadd.f32 v10, v12;
	v12 =	vadd.f32 v4, v14;
	v18 =	vmul.f32 v21, v5;
	v5, _, _ =	vpop (xrf2)  }
0xcf: {  	v13 =	vperm.xlane v13, v0;
	v14 =	vld [tilespmem:s23+$0xFFFFFFF0];
	(xrf2) =	vadd.scan.msk.f32 $0xffff, v23;
	v11 =	vadd.f32 v16, v11;
	v16 =	vmul.f32 $1.000000050e-03, v5  }
0xd0: {  	v8 =	vadd.f32 v8, v9;
	v17 =	vld [tilespmem:s23+$0xFFFFFFE0];
	v5 =	vmul.f32 v24, v24;
	v9 =	vadd.f32 v18, v10;
	v4 =	vmovc v24  }
0xd1: {  	s24 =	sadd.s32 $0x40, s24;
	v13 =	vadd.f32 v13, v19;
	v12 =	vadd.f32 v12, v12;
	v10 =	vld [tilespmem:s23+$0xFFFFFFD0];
	v11 =	vmul.f32 $4.000000000e+00, v11;
	[tilespmem:v1+s17+$0x0] =	vst.idx.msk vm0, v16  }
0xd2: {  	v6 =	vmul.f32 v6, v2;
	v1 =	vadd.f32 v3, v8;
	v16 =	vld [tilespmem:s24+$0xFFFFFFF0];
	(xrf2) =	vadd.scan.msk.f32 $0xffff, v4;
	v3 =	vmul.f32 v15, v4  }
0xd3: {  	v9 =	vmul.f32 $3.333333430e-01, v9;
	v15 =	vld [tilespmem:s24+$0xFFFFFFE0];
	v18, _, _ =	vpop (xrf2);
	v11 =	vadd.f32 v11, v12;
	v12 =	vadd.f32 v13, v13  }
0xd4: {  	v19 =	vmul.f32 v23, v23;
	v13 =	vld [tilespmem:s24+$0xFFFFFFD0];
	v8 =	vmul.f32 v14, v2  }
0xd5: {  	v14 =	vmul.f32 v7, v7;
	v11 =	vadd.f32 v11, v9;
	v12 =	vmul.f32 v12, v1  }
0xd6: {  	v9 =	vmul.f32 v17, v23;
	v1 =	vmov s21;
	s21 =	smov.u32 s22;
	s22 =	smov.u32 s26;
	v20 =	vmul.f32 v10, v7;
	v17, _, _ =	vpop (xrf2)  }
0xd7: {  	v21 =	vsub.f32 v17, v7;
	v10 =	vmul.f32 v16, v6;
	v16 =	vsub.f32 v11, v12  }
0xd8: {  	s25 =	sadd.s32 $0x40, s25;
	v17 =	vperm.xlane v17, v0;
	v11 =	vadd.f32 $0.0e+00, v20;
	v12 =	vmul.f32 v15, v19  }
.Ltmp1:
0xd9: {  	v7 =	vmul.f32 v20, v7;
	v6 =	vld [tilespmem:s25+$0xFFFFFFF0];
	v15 =	vadd.f32 $0.0e+00, v21;
	v14 =	vmul.f32 v13, v14;
	v13, _, _ =	vpop (xrf2);
	(xrf2) =	vadd.scan.msk.f32 $0xffff, v16;
	(pc) =	sbr.rel @p0 .LBB2_4-.Ltmp1, $4  }
0xda: {  	v17 =	vadd.f32 $0.0e+00, v17;
	v19 =	vsub.f32 v13, v23;
	v24 =	vperm.xlane v13, v0  }
0xdb: {  	v16 =	vsub.f32 v18, v2;
	v22 =	vmul.f32 v15, v20;
	v15 =	vadd.f32 $0.0e+00, v7  }
0xdc: {  	v21 =	vperm.xlane v18, v0;
	v7 =	vld [tilespmem:s25+$0xFFFFFFD0];
	v20 =	vadd.f32 v17, v19;
	v19 =	vadd.f32 v24, v17;
	v13, _, _ =	vpop (xrf2)  }
0xdd: {  	s26 =	sadd.s32 $0x1, s26;
	v17 =	vadd.f32 $0.0e+00, v22;
	v22 =	vmul.f32 v9, v23;
	v18 =	vsub.f32 v13, v4  }
0xde: {  	v23 =	vld [tilespmem:s25+$0xFFFFFFE0]  }
0xdf: {  	v60 =	vld [tilespmem:s24+$0x0]  }
0xe0: {  	(xrf2) =	vadd.scan.msk.f32 $0xffff, v6;
	v61 =	vld [tilespmem:s25+$0x0];
	s23 =	sadd.s32 $0x40, s23  }
0xe1: {  	v20 =	vmul.f32 v20, v9;
	v16 =	vadd.f32 v19, v16;
	v59 =	vadd.f32 v21, v19;
	v62 =	vld [tilespmem:s23+$0x0];
	(xrf2) =	vadd.scan.msk.f32 $0xffff, v7  }
0xe2: {  	v14 =	vadd.f32 $0.0e+00, v14;
	v2 =	vmul.f32 v8, v2;
	v4 =	vmul.f32 v3, v4;
	v25 =	vld [tilespmem:s23+$0xFFFFFFF0]  }
0xe3: {  	v24 =	vadd.f32 v9, v11;
	v13 =	vperm.xlane v13, v0;
	s31 =	sadd.s32 $0x40, s24;
	v15 =	vadd.f32 v22, v15;
	v27 =	vld [tilespmem:s23+$0xFFFFFFD0]  }
0xe4: {  	v35 =	vmul.f32 v6, v6;
	v30 =	vld [tilespmem:s31+$0xFFFFFFF0];
	v17 =	vadd.f32 v20, v17;
	v18 =	vadd.f32 v59, v18;
	(xrf2) =	vadd.scan.msk.f32 $0xffff, v23  }
0xe5: {  	v32 =	vld [tilespmem:s31+$0xFFFFFFE0];
	v16 =	vmul.f32 v16, v8;
	v12 =	vadd.f32 v12, v14;
	v29 =	vadd.f32 v8, v24  }
0xe6: {  	v34 =	vld [tilespmem:s23+$0xFFFFFFE0];
	v31 =	vadd.f32 v13, v59;
	v2 =	vadd.f32 v2, v15;
	v39 =	vmul.f32 v7, v7  }
0xe7: {  	v24 =	vld [tilespmem:s31+$0xFFFFFFD0];
	v63 =	vadd.f32 v16, v17;
	v22 =	vmul.f32 v18, v3;
	v10 =	vadd.f32 v10, v12;
	v28, _, _ =	vpop (xrf2);
	(xrf2) =	vadd.scan.msk.f32 $0xffff, v61  }
0xe8: {  	v3 =	vadd.f32 v3, v29;
	v5 =	vmul.f32 v60, v5;
	v37 =	vmul.f32 v23, v23  }
0xe9: {  	v2 =	vadd.f32 v4, v2;
	v51 =	vmul.f32 v61, v61;
	v14 =	vmul.f32 v62, v61  }
0xea: {  	v26 =	vadd.f32 v22, v63;
	v11 =	vmul.f32 v25, v6;
	v15 =	vmul.f32 v27, v7;
	v33, _, _ =	vpop (xrf2)  }
0xeb: {  	v9 =	vmul.f32 v30, v35;
	v43 =	vmul.f32 v34, v23;
	v5 =	vadd.f32 v5, v10;
	v36, _, _ =	vpop (xrf2)  }
0xec: {  	v13 =	vmul.f32 v32, v37;
	v8 =	vmul.f32 v24, v39;
	v38 =	vsub.f32 v36, v7  }
0xed: {  	v2 =	vadd.f32 v2, v2;
	v12 =	vmul.f32 $4.000000000e+00, v26;
	v19 =	vperm.xlane v36, v0  }
0xee: {  	v8 =	vadd.f32 $0.0e+00, v8;
	v7 =	vmul.f32 v15, v7;
	v41, _, _ =	vpop (xrf2);
	v40 =	vadd.f32 $0.0e+00, v38  }
0xef: {  	v19 =	vadd.f32 $0.0e+00, v19;
	v42 =	vsub.f32 v41, v23;
	v44 =	vperm.xlane v41, v0  }
0xf0: {  	v45 =	vsub.f32 v33, v6;
	v7 =	vadd.f32 $0.0e+00, v7;
	v18 =	vmul.f32 v40, v15  }
0xf1: {  	v16 =	vperm.xlane v33, v0;
	v47, _, _ =	vpop (xrf2);
	v21 =	vadd.f32 v19, v42;
	v17 =	vadd.f32 v44, v19  }
0xf2: {  	v46 =	vmul.f32 v43, v23;
	v48 =	vsub.f32 v47, v61;
	v18 =	vadd.f32 $0.0e+00, v18  }
0xf3: {  	v49 =	vld [tilespmem:s31+$0x0];
	v19 =	vadd.f32 v17, v45;
	v16 =	vadd.f32 v16, v17;
	v21 =	vmul.f32 v21, v43  }
0xf4: {  	v50 =	vmul.f32 v11, v6;
	v2 =	vadd.f32 v12, v2;
	v7 =	vadd.f32 v46, v7  }
0xf5: {  	v18 =	vadd.f32 v21, v18;
	v19 =	vmul.f32 v19, v11;
	v17 =	vadd.f32 v16, v48  }
0xf6: {  	v52 =	vmul.f32 v14, v61;
	v8 =	vadd.f32 v13, v8;
	v15 =	vadd.f32 $0.0e+00, v15  }
0xf7: {  	v6 =	vadd.f32 v50, v7;
	v53 =	vadd.f32 v19, v18;
	v17 =	vmul.f32 v17, v14  }
0xf8: {  	v54 =	vmul.f32 v49, v51;
	v8 =	vadd.f32 v9, v8;
	v12 =	vadd.f32 v43, v15  }
0xf9: {  	v56 =	vperm.xlane v47, v0;
	v6 =	vadd.f32 v52, v6;
	v55 =	vadd.f32 v17, v53  }
0xfa: {  	v8 =	vadd.f32 v54, v8;
	v11 =	vadd.f32 v11, v12  }
0xfb: {  	v57 =	vadd.f32 v56, v16;
	v6 =	vadd.f32 v6, v6;
	v7 =	vmul.f32 $4.000000000e+00, v55  }
0xfc: {  	v10 =	vadd.f32 v31, v31;
	v5 =	vmul.f32 $3.333333430e-01, v5;
	v11 =	vadd.f32 v14, v11  }
0xfd: {  	v58 =	vmul.f32 $3.333333430e-01, v8;
	v59 =	vadd.f32 v57, v57;
	v6 =	vadd.f32 v7, v6  }
0xfe: {  	v3 =	vmul.f32 v10, v3;
	v2 =	vadd.f32 v2, v5  }
0xff: {  	v61 =	vmul.f32 v59, v11;
	v60 =	vadd.f32 v6, v58  }
0x100: {  	v2 =	vsub.f32 v2, v3  }
0x101: {  	v3 =	vsub.f32 v60, v61  }
0x102: {  	(xrf2) =	vadd.scan.msk.f32 $0xffff, v2  }
0x103: {  	(xrf2) =	vadd.scan.msk.f32 $0xffff, v3;
	_ =	sdelay $0x6  }
0x104: {  	v2 =	vmov s21  }
0x105: {  	v3 =	vmov s22  }
0x106: {  	v4 =	vmul.f32 $1.000000050e-03, v28;
	v62, _, _ =	vpop (xrf2)  }
0x107: {  	v5 =	vmul.f32 $1.000000050e-03, v62;
	v63, _, _ =	vpop (xrf2)  }
0x108: {  	s20 =	sadd.s32 $0x1, s20;
	[tilespmem:v1+s17+$0x0] =	vst.idx.msk vm0, v4;
	v1 =	vmul.f32 $1.000000050e-03, v63  }
0x109: {  	p0 =	sne.s32 s20, s10;
	[tilespmem:v2+s17+$0x0] =	vst.idx.msk vm0, v5  }
.Ltmp2:
0x10a: {  	[tilespmem:v3+s17+$0x0] =	vst.idx.msk vm0, v1;
	(pc) =	sbr.rel @p0 .LBB2_1-.Ltmp2, $4  }
0x10b: {  	[hbm4b:s9+s2] =	stream.linear.scatter [tilespmem:s17], [sflag:$0x3], $0x100, $0x38;
	[tilespmem:$0xC100] =	vst v63  }
0x10c: {  	_ =	swait.ge [sflag:s19], $0x100  }
0x10d: {  	[sflag:s19] =	ssyncset.done $0x0  }
0x10e: {  	[sflag:s19] =	ssyncadd.s32 $0xFFFFFF00  }
0x10f: {  	_ =	sfence.sel $0x180000  }
0x110: {  	[bflag:$0x0] =	sbarrier.arrive $0xFFFF  }
0x111: {  	p0 =	sne.s32 s1, $0x0;
	_ =	strace $0x90000047  }
0x112: {  	s0 =	sadd.s32 @!p0 $0x100000, s0;
	[bflag:$0x2] =	sbarrier.arrive $0xFFFF  }
0x113: {  	[sflag:s0] =	ssyncadd.tile.s32 @!p0 $0x1;
	_ =	shalt  }
.Lfunc_end2:
_tile_overlayer_lowered:
.L_overlay_start_2:
0x114: {  	(tag) =	ssettag $0x2  }
0x115: {  	s0 =	rddreg [dreg:$0x0];
	s2 =	stileid.u32  }
0x116: {  	s1 =	rddreg [dreg:$0x1];
	p0 =	sne.s32 s2, $0x0  }
0x117: {  	s3 =	rddreg [dreg:$0x2];
	[bflag:$0x3] =	sbarrier.arrive $0xFFFF;
	s2 =	simm.s32 @!p0 $0x1C03  }
0x118: {  	[timem:s3], [sflag:s2] =	dma.local @!p0 [hbm:s0], s1  }
0x119: {  	s0 =	simm.s32 @!p0 $0x3  }
0x11a: {  	_ =	swait.ge @!p0 [sflag:s0], s1  }
0x11b: {  	s1 =	ssub.s32 @!p0 $0x0, s1;
	[sflag:s0] =	ssyncset.done @!p0 $0x0  }
0x11c: {  	[sflag:s0] =	ssyncadd.s32 @!p0 s1  }
0x11d: {  	[bflag:$0x3] =	sbarrier.arrive $0xFFFF  }
0x11e: {  	_ =	shalt  }

</sc_bundles>
